<compile_context>
chip_gen: v7x
topology: tpu7x:2x2x1
jax: 0.10.2.dev20260603
libtpu: 0.0.44.dev20260713+nightly
codegen_flags: <defaults>
</compile_context>

<pallas_src>
import functools

import jax
import jax.numpy as jnp
from jax import lax
from jax.experimental import pallas as pl
from jax.experimental.pallas import tpu as pltpu
from jax.experimental.pallas import tpu_sc as plsc

_NC, _NS, _L = 2, 16, 16
_NW = _NC * _NS


def _stage1_body(x_ref, w_ref, b_ref, sidx_ref, sval_ref, *, T, K):
    xb = x_ref[0]
    C = xb.shape[0]
    zcol = jnp.zeros((C, 1), jnp.float32)
    xm1 = jnp.concatenate([zcol, xb[:, : T - 1]], axis=1)
    xp1 = jnp.concatenate([xb[:, 1:], zcol], axis=1)
    y = (
        jnp.dot(w_ref[0], xm1, preferred_element_type=jnp.float32)
        + jnp.dot(w_ref[1], xb, preferred_element_type=jnp.float32)
        + jnp.dot(w_ref[2], xp1, preferred_element_type=jnp.float32)
        + b_ref[...]
    )
    t_iota = lax.broadcasted_iota(jnp.int32, (16, T), 1).astype(jnp.float32)
    k_row_i = lax.broadcasted_iota(jnp.int32, (16, T), 0)
    k_row = k_row_i.astype(jnp.float32) - float(K // 2)
    pos = jnp.clip(t_iota + k_row + y, 0.0, float(T - 1))
    pf = jnp.floor(pos)
    pc = jnp.ceil(pos)
    wf = pc - pos
    wc = pos - pf
    mod = jax.nn.sigmoid(y)
    mod_sh = jnp.concatenate([mod[8:16], mod[0:8]], axis=0)
    af = wf * mod_sh
    ac = wc * mod_sh
    gbase = pl.program_id(0) * T
    fi = (pf.astype(jnp.int32) + gbase) * K + k_row_i
    ci = (pc.astype(jnp.int32) + gbase) * K + k_row_i
    sidx_ref[0] = jnp.concatenate([fi[0:8], ci[0:8]], axis=0)
    sval_ref[0] = jnp.concatenate([af[0:8], ac[0:8]], axis=0)


def _stage1(x, w16t, b16):
    B, C, T = x.shape
    K = 5
    return pl.pallas_call(
        functools.partial(_stage1_body, T=T, K=K),
        grid=(B,),
        in_specs=[
            pl.BlockSpec((1, C, T), lambda b: (b, 0, 0)),
            pl.BlockSpec((3, 16, C), lambda b: (0, 0, 0)),
            pl.BlockSpec((16, 1), lambda b: (0, 0)),
        ],
        out_specs=[
            pl.BlockSpec((1, 16, T), lambda b: (b, 0, 0)),
            pl.BlockSpec((1, 16, T), lambda b: (b, 0, 0)),
        ],
        out_shape=[
            jax.ShapeDtypeStruct((B, 16, T), jnp.int32),
            jax.ShapeDtypeStruct((B, 16, T), jnp.float32),
        ],
    )(x, w16t, b16)


def _scale_body(xt_ref, wd_ref, out_ref, *, K):
    xb = xt_ref[...]
    RB, C = xb.shape
    prod = xb[:, None, :] * wd_ref[...][None, 0:K, :]
    out_ref[...] = prod.reshape(RB * K, C)


def _scale_table(xt, wd8):
    ROWS, C = xt.shape
    K = 5
    RB = 512
    return pl.pallas_call(
        functools.partial(_scale_body, K=K),
        grid=(ROWS // RB,),
        in_specs=[
            pl.BlockSpec((RB, C), lambda i: (i, 0)),
            pl.BlockSpec((8, C), lambda i: (0, 0)),
        ],
        out_specs=pl.BlockSpec((RB * K, C), lambda i: (i, 0)),
        out_shape=jax.ShapeDtypeStruct((ROWS * K, C), jnp.float32),
    )(xt, wd8)


def _sc_gather(tab, sidx, sval):
    NROW, C = tab.shape
    J = 10
    ROWS = NROW // (J // 2)
    RPW = ROWS // _NW
    CH = 8
    NCH = RPW // CH
    NCG = C // _L
    mesh = plsc.VectorSubcoreMesh(
        core_axis_name="c", subcore_axis_name="s",
        num_cores=_NC, num_subcores=_NS,
    )

    def body(tab_hbm, sidx_hbm, sval_hbm, out_hbm,
             idx_v, sval_v, g0_v, g1_v, out_v, sem0, sem1):
        wid = lax.axis_index("s") * _NC + lax.axis_index("c")
        base = wid * RPW
        pltpu.sync_copy(sidx_hbm.at[pl.ds(base * J, RPW * J)], idx_v)
        pltpu.sync_copy(sval_hbm.at[pl.ds(base * J, RPW * J)], sval_v)

        def fire(i, gbuf, sem):
            return pltpu.async_copy(
                tab_hbm.at[idx_v.at[pl.ds(i * (CH * J), CH * J)]], gbuf, sem
            )

        def wait_for(i, gbuf, sem):
            pltpu.make_async_copy(
                tab_hbm.at[idx_v.at[pl.ds(i * (CH * J), CH * J)]], gbuf, sem
            ).wait()

        def compute(i, gbuf):
            def row(r, carry2):
                sp = [
                    plsc.load_gather(
                        sval_v,
                        [lax.broadcast((i * CH + r) * J + j, (16,))],
                    )
                    for j in range(J)
                ]

                def col(cg, carry3):
                    co = cg * _L
                    acc = sp[0] * gbuf[r * J, pl.ds(co, _L)]
                    for j in range(1, J):
                        acc = acc + sp[j] * gbuf[r * J + j, pl.ds(co, _L)]
                    out_v[r, pl.ds(co, _L)] = acc
                    return carry3

                return lax.fori_loop(0, NCG, col, carry2)

            lax.fori_loop(0, CH, row, 0)
            pltpu.sync_copy(out_v, out_hbm.at[pl.ds(base + i * CH, CH)])

        fire(0, g0_v, sem0)
        fire(1, g1_v, sem1)

        def pair(p, carry):
            i0 = 2 * p
            wait_for(i0, g0_v, sem0)
            compute(i0, g0_v)

            @pl.when(i0 + 2 < NCH)
            def _():
                fire(i0 + 2, g0_v, sem0)

            wait_for(i0 + 1, g1_v, sem1)
            compute(i0 + 1, g1_v)

            @pl.when(i0 + 3 < NCH)
            def _():
                fire(i0 + 3, g1_v, sem1)

            return carry

        lax.fori_loop(0, NCH // 2, pair, 0)

    run = pl.kernel(
        body,
        out_type=jax.ShapeDtypeStruct((ROWS, C), jnp.float32),
        mesh=mesh,
        scratch_types=[
            pltpu.VMEM((RPW * J,), jnp.int32),
            pltpu.VMEM((RPW * J,), jnp.float32),
            pltpu.VMEM((CH * J, C), jnp.float32),
            pltpu.VMEM((CH * J, C), jnp.float32),
            pltpu.VMEM((CH, C), jnp.float32),
            pltpu.SemaphoreType.DMA,
            pltpu.SemaphoreType.DMA,
        ],
        compiler_params=pltpu.CompilerParams(needs_layout_passes=False),
    )
    return run(tab, sidx, sval)


def _stage3_body(d_ref, w_ref, b1_ref, w2_ref, b2_ref, rec_ref):
    db = d_ref[0]
    T = db.shape[0]
    h0 = jnp.dot(db, w_ref[0], preferred_element_type=jnp.float32)
    h1 = jnp.dot(db, w_ref[1], preferred_element_type=jnp.float32)
    h2 = jnp.dot(db, w_ref[2], preferred_element_type=jnp.float32)
    zrow = jnp.zeros((1, h0.shape[1]), jnp.float32)
    y = (
        h1
        + jnp.concatenate([zrow, h0[: T - 1]], axis=0)
        + jnp.concatenate([h2[1:], zrow], axis=0)
        + b1_ref[...]
    )
    h = jnp.maximum(y, 0.0)
    rec = jnp.dot(h, w2_ref[...], preferred_element_type=jnp.float32) + b2_ref[...]
    rec_ref[0] = rec


def _stage3(dt3, wr1t, br1, w2, b2):
    B, T, C = dt3.shape
    C2 = wr1t.shape[-1]
    return pl.pallas_call(
        _stage3_body,
        grid=(B,),
        in_specs=[
            pl.BlockSpec((1, T, C), lambda b: (b, 0, 0)),
            pl.BlockSpec((3, C, C2), lambda b: (0, 0, 0)),
            pl.BlockSpec((1, C2), lambda b: (0, 0)),
            pl.BlockSpec((C2, 1), lambda b: (0, 0)),
            pl.BlockSpec((1, 1), lambda b: (0, 0)),
        ],
        out_specs=pl.BlockSpec((1, T, 1), lambda b: (b, 0, 0)),
        out_shape=jax.ShapeDtypeStruct((B, T, 1), jnp.float32),
    )(dt3, wr1t, br1, w2, b2)


def kernel(x, Wo, bo, Wm, bm, weight, Wr1, br1, Wr2, br2):
    B, C, T = x.shape
    K = weight.shape[-1]
    w16 = (
        jnp.zeros((16, C, 3), jnp.float32)
        .at[0:K].set(Wo[0:K])
        .at[8 : 8 + K].set(Wm)
    )
    b16 = (
        jnp.zeros((16,), jnp.float32).at[0:K].set(bo[0:K]).at[8 : 8 + K].set(bm)
    )
    w16t = jnp.transpose(w16, (2, 0, 1))
    sidx16, sval16 = _stage1(x, w16t, b16[:, None])
    sidx = jnp.concatenate([sidx16[:, 0:K], sidx16[:, 8 : 8 + K]], axis=1)
    sval = jnp.concatenate([sval16[:, 0:K], sval16[:, 8 : 8 + K]], axis=1)
    sidx = jnp.transpose(sidx, (0, 2, 1)).reshape(B * T * 2 * K)
    sval = jnp.transpose(sval, (0, 2, 1)).reshape(B * T * 2 * K)
    xt = jnp.transpose(x, (0, 2, 1)).reshape(B * T, C)
    wdiag = weight[jnp.arange(C), jnp.arange(C), :]
    wd8 = jnp.zeros((8, C), jnp.float32).at[0:K].set(wdiag.T)
    tab = _scale_table(xt, wd8)
    dt = _sc_gather(tab, sidx, sval)
    dt3 = dt.reshape(B, T, C)
    deformed = jnp.transpose(dt3, (0, 2, 1))
    wr1t = jnp.transpose(Wr1, (2, 1, 0))
    rec3 = _stage3(dt3, wr1t, br1[None, :], Wr2[0], br2[None, :])
    rec = rec3.reshape(B, T)
    return deformed, rec

# --- scband reference (transcript-rebuilt; emitter-appended) ---
"""Pipeline reference for scband-capacity-recovery-detector-79534204388117 (READ-ONLY COPY).

The authoritative reference and input builder live on the scoring server;
editing this copy changes nothing except your own understanding.
"""

import jax, jax.numpy as jnp
import numpy as np


def conv1d(x, w, b, pad):
    out = jax.lax.conv_general_dilated(
        x, w, window_strides=(1,), padding=[(pad, pad)],
        dimension_numbers=('NCH', 'OIH', 'NCH'))
    return out + b[None, :, None]


def _init_conv(k, o, i, kw):
    fan = i * kw
    bound = 1.0 / np.sqrt(fan)
    k1, k2 = jax.random.split(k)
    w = jax.random.uniform(k1, (o, i, kw), minval=-bound, maxval=bound, dtype=jnp.float32)
    b = jax.random.uniform(k2, (o,), minval=-bound, maxval=bound, dtype=jnp.float32)
    return w, b


def setup_inputs(seed: int = 0) -> dict:
    key = jax.random.key(seed)
    ks = jax.random.split(key, 6)
    B, C, T, K = 4, 256, 2048, 5
    x = jax.random.normal(ks[0], (B, C, T), dtype=jnp.float32)
    Wo, bo = _init_conv(ks[1], 2 * K, C, 3)
    Wm, bm = _init_conv(ks[2], K, C, 3)
    weight = jax.random.normal(ks[3], (C, C, K), dtype=jnp.float32)
    Wr1, br1 = _init_conv(ks[4], C // 2, C, 3)
    Wr2, br2 = _init_conv(ks[5], 1, C // 2, 1)
    return dict(x=x, Wo=Wo, bo=bo, Wm=Wm, bm=bm, weight=weight,
                Wr1=Wr1, br1=br1, Wr2=Wr2, br2=br2)


def reference(x, Wo, bo, Wm, bm, weight, Wr1, br1, Wr2, br2):
    B, C, T = x.shape
    K = weight.shape[-1]
    offset = conv1d(x, Wo, bo, 1)                      # [B, 2K, T]
    modulator = jax.nn.sigmoid(conv1d(x, Wm, bm, 1))   # [B, K, T]

    off = offset.reshape(B, 2, K, T).transpose(0, 3, 1, 2)  # [B, T, 2, K]
    mod = modulator.reshape(B, K, T).transpose(0, 2, 1)     # [B, T, K]

    base = jnp.arange(T, dtype=jnp.float32)[None, :, None]
    kpos = jnp.arange(K, dtype=jnp.float32) - (K // 2)
    pos = base + kpos[None, None, :] + off[:, :, 0, :]      # [B, T, K]
    pos = jnp.clip(pos, 0.0, T - 1.0)

    pf = jnp.floor(pos)
    pc = jnp.ceil(pos)
    wf = pc - pos
    wc = pos - pf
    pf_i = jnp.clip(pf, 0, T - 1).astype(jnp.int32)
    pc_i = jnp.clip(pc, 0, T - 1).astype(jnp.int32)

    def gather(idx):
        idxb = jnp.broadcast_to(idx.reshape(B, 1, T * K), (B, C, T * K))
        return jnp.take_along_axis(x, idxb, axis=2).reshape(B, C, T, K)

    sf = gather(pf_i)
    sc = gather(pc_i)
    sampled = sf * wf[:, None, :, :] + sc * wc[:, None, :, :]  # [B, C, T, K]

    wdiag = weight[jnp.arange(C), jnp.arange(C), :]            # [C, K] (only diagonal used)
    deformed = jnp.sum(sampled * wdiag[None, :, None, :] * mod[:, None, :, :], axis=-1)  # [B, C, T]

    h = jax.nn.relu(conv1d(deformed, Wr1, br1, 1))
    rec = conv1d(h, Wr2, br2, 0)                               # [B, 1, T]
    return deformed, rec.squeeze(1)

if __name__ == "__main__":
    import jax
    _d = setup_inputs()
    print(jax.jit(kernel)(*tuple(_d.values())))

</pallas_src>

<mosaic_0001>
#map = affine_map<(d0, d1) -> (0, 0)>
#map1 = affine_map<(d0, d1) -> (0)>
module attributes {stable_mosaic.version = 14 : i64} {
  func.func @body(%arg0: i32, %arg1: i32, %arg2: memref<40960x256xf32, #tpu.memory_space<hbm>>, %arg3: memref<81920xi32, #tpu.memory_space<hbm>>, %arg4: memref<81920xf32, #tpu.memory_space<hbm>>, %arg5: memref<8192x256xf32, #tpu.memory_space<hbm>>, %arg6: memref<2560xi32, #tpu.memory_space<vmem>>, %arg7: memref<2560xf32, #tpu.memory_space<vmem>>, %arg8: memref<80x256xf32, #tpu.memory_space<vmem>>, %arg9: memref<80x256xf32, #tpu.memory_space<vmem>>, %arg10: memref<8x256xf32, #tpu.memory_space<vmem>>, %arg11: memref<!tpu.dma_semaphore, #tpu.memory_space<semaphore_mem>>, %arg12: memref<!tpu.dma_semaphore, #tpu.memory_space<semaphore_mem>>) attributes {dimension_semantics = [#tpu.dimension_semantics<core_parallel>, #tpu.dimension_semantics<subcore_parallel>], iteration_bounds = array<i64: 2, 16>, scalar_prefetch = 0 : i64, scratch_operands = 7 : i64, tpu.core_type = #tpu.core_type<sc_vector_subcore>, window_params = [{transform_indices = #map}, {transform_indices = #map1}, {transform_indices = #map1}, {transform_indices = #map}]} {
    %mul3A = arith.constant 2 : i32
    %mul3A_0 = arith.muli %arg1, %mul3A : i32
    %add3A = arith.addi %mul3A_0, %arg0 : i32
    %mul3A_1 = arith.constant 256 : i32
    %mul3A_2 = arith.muli %add3A, %mul3A_1 : i32
    %mul3A_3 = arith.constant 10 : i32
    %mul3A_4 = arith.muli %mul3A_2, %mul3A_3 : i32
    "tpu.region"() ({
      %run_scoped3A = tpu.sem_alloc : memref<!tpu.dma_semaphore, #tpu.memory_space<semaphore_mem>>
      %dma_start3A_21 = tpu.memref_slice %arg3[%mul3A_4] : memref<81920xi32, #tpu.memory_space<hbm>> -> memref<2560xi32, #tpu.memory_space<hbm>>
      %dma_start3A_22 = tpu.memref_slice %arg3[%mul3A_4] : memref<81920xi32, #tpu.memory_space<hbm>> -> memref<2560xi32, #tpu.memory_space<hbm>>
      tpu.enqueue_dma source(%dma_start3A_22 : memref<2560xi32, #tpu.memory_space<hbm>>) target(%arg6 : memref<2560xi32, #tpu.memory_space<vmem>>) target_semaphore(%run_scoped3A : memref<!tpu.dma_semaphore, #tpu.memory_space<semaphore_mem>>)
      %dma_wait3A = tpu.memref_slice %arg3[%mul3A_4] : memref<81920xi32, #tpu.memory_space<hbm>> -> memref<2560xi32, #tpu.memory_space<hbm>>
      %dma_wait3A_23 = tpu.memref_slice %arg3[%mul3A_4] : memref<81920xi32, #tpu.memory_space<hbm>> -> memref<2560xi32, #tpu.memory_space<hbm>>
      tpu.wait_dma2 semaphore(%run_scoped3A : memref<!tpu.dma_semaphore, #tpu.memory_space<semaphore_mem>>) src(%dma_wait3A_23 : memref<2560xi32, #tpu.memory_space<hbm>>) dst(%arg6 : memref<2560xi32, #tpu.memory_space<vmem>>)
      tpu.yield
    }) : () -> ()
    %mul3A_5 = arith.constant 10 : i32
    %mul3A_6 = arith.muli %mul3A_2, %mul3A_5 : i32
    "tpu.region"() ({
      %run_scoped3A = tpu.sem_alloc : memref<!tpu.dma_semaphore, #tpu.memory_space<semaphore_mem>>
      %dma_start3A_21 = tpu.memref_slice %arg4[%mul3A_6] : memref<81920xf32, #tpu.memory_space<hbm>> -> memref<2560xf32, #tpu.memory_space<hbm>>
      %dma_start3A_22 = tpu.memref_slice %arg4[%mul3A_6] : memref<81920xf32, #tpu.memory_space<hbm>> -> memref<2560xf32, #tpu.memory_space<hbm>>
      tpu.enqueue_dma source(%dma_start3A_22 : memref<2560xf32, #tpu.memory_space<hbm>>) target(%arg7 : memref<2560xf32, #tpu.memory_space<vmem>>) target_semaphore(%run_scoped3A : memref<!tpu.dma_semaphore, #tpu.memory_space<semaphore_mem>>)
      %dma_wait3A = tpu.memref_slice %arg4[%mul3A_6] : memref<81920xf32, #tpu.memory_space<hbm>> -> memref<2560xf32, #tpu.memory_space<hbm>>
      %dma_wait3A_23 = tpu.memref_slice %arg4[%mul3A_6] : memref<81920xf32, #tpu.memory_space<hbm>> -> memref<2560xf32, #tpu.memory_space<hbm>>
      tpu.wait_dma2 semaphore(%run_scoped3A : memref<!tpu.dma_semaphore, #tpu.memory_space<semaphore_mem>>) src(%dma_wait3A_23 : memref<2560xf32, #tpu.memory_space<hbm>>) dst(%arg7 : memref<2560xf32, #tpu.memory_space<vmem>>)
      tpu.yield
    }) : () -> ()
    %dma_start3A = arith.constant 0 : i32
    %dma_start3A_7 = tpu.memref_slice %arg6[%dma_start3A] : memref<2560xi32, #tpu.memory_space<vmem>> -> memref<80xi32, #tpu.memory_space<vmem>>
    %dma_start3A_8 = arith.constant 0 : i32
    %dma_start3A_9 = arith.constant 0 : i32
    %dma_start3A_10 = tpu.memref_slice %arg2[%dma_start3A_8, %dma_start3A_9] : memref<40960x256xf32, #tpu.memory_space<hbm>> -> memref<40960x256xf32, #tpu.memory_space<hbm>>
    tpu.enqueue_indirect_dma source(%dma_start3A_10 : memref<40960x256xf32, #tpu.memory_space<hbm>>) target(%arg8 : memref<80x256xf32, #tpu.memory_space<vmem>>) offsets(%dma_start3A_7 : memref<80xi32, #tpu.memory_space<vmem>>) semaphore(%arg11 : memref<!tpu.dma_semaphore, #tpu.memory_space<semaphore_mem>>)
    %dma_start3A_11 = arith.constant 80 : i32
    %dma_start3A_12 = tpu.memref_slice %arg6[%dma_start3A_11] : memref<2560xi32, #tpu.memory_space<vmem>> -> memref<80xi32, #tpu.memory_space<vmem>>
    %dma_start3A_13 = arith.constant 0 : i32
    %dma_start3A_14 = arith.constant 0 : i32
    %dma_start3A_15 = tpu.memref_slice %arg2[%dma_start3A_13, %dma_start3A_14] : memref<40960x256xf32, #tpu.memory_space<hbm>> -> memref<40960x256xf32, #tpu.memory_space<hbm>>
    tpu.enqueue_indirect_dma source(%dma_start3A_15 : memref<40960x256xf32, #tpu.memory_space<hbm>>) target(%arg9 : memref<80x256xf32, #tpu.memory_space<vmem>>) offsets(%dma_start3A_12 : memref<80xi32, #tpu.memory_space<vmem>>) semaphore(%arg12 : memref<!tpu.dma_semaphore, #tpu.memory_space<semaphore_mem>>)
    %scan3A = arith.constant 0 : i32
    %scan3A_16 = arith.constant 0 : i32
    %scan3A_17 = arith.constant 16 : i32
    %scan3A_18 = arith.addi %scan3A_16, %scan3A_17 : i32
    %scan3A_19 = arith.constant 1 : i32
    scf.for %scan3A_21 = %scan3A_16 to %scan3A_18 step %scan3A_19  : i32 {
      %mul3A_22 = arith.constant 2 : i32
      %mul3A_23 = arith.muli %mul3A_22, %scan3A_21 : i32
      %mul3A_24 = arith.constant 80 : i32
      %mul3A_25 = arith.muli %mul3A_23, %mul3A_24 : i32
      %dma_wait3A = tpu.memref_slice %arg6[%mul3A_25] : memref<2560xi32, #tpu.memory_space<vmem>> -> memref<80xi32, #tpu.memory_space<vmem>>
      %dma_wait3A_26 = arith.constant 0 : i32
      %dma_wait3A_27 = arith.constant 0 : i32
      %dma_wait3A_28 = tpu.memref_slice %arg2[%dma_wait3A_26, %dma_wait3A_27] : memref<40960x256xf32, #tpu.memory_space<hbm>> -> memref<40960x256xf32, #tpu.memory_space<hbm>>
      tpu.wait_indirect_dma semaphore(%arg11 : memref<!tpu.dma_semaphore, #tpu.memory_space<semaphore_mem>>) src(%dma_wait3A_28 : memref<40960x256xf32, #tpu.memory_space<hbm>>) dst(%arg8 : memref<80x256xf32, #tpu.memory_space<vmem>>)
      %scan3A_29 = arith.constant 0 : i32
      %scan3A_30 = arith.constant 0 : i32
      %scan3A_31 = arith.constant 8 : i32
      %scan3A_32 = arith.addi %scan3A_30, %scan3A_31 : i32
      %scan3A_33 = arith.constant 1 : i32
      scf.for %scan3A_68 = %scan3A_30 to %scan3A_32 step %scan3A_33  : i32 {
        %mul3A_69 = arith.constant 8 : i32
        %mul3A_70 = arith.muli %mul3A_23, %mul3A_69 : i32
        %add3A_71 = arith.addi %mul3A_70, %scan3A_68 : i32
        %mul3A_72 = arith.constant 10 : i32
        %mul3A_73 = arith.muli %add3A_71, %mul3A_72 : i32
        %add3A_74 = arith.constant 0 : i32
        %add3A_75 = arith.addi %mul3A_73, %add3A_74 : i32
        %broadcast_in_dim3A = vector.broadcast %add3A_75 : i32 to vector<16xi32>
        %gather3A = tpu.vector_load_idx %arg7[%broadcast_in_dim3A] : memref<2560xf32, #tpu.memory_space<vmem>>[vector<16xi32>], vector<16xf32>,
        %mul3A_76 = arith.constant 8 : i32
        %mul3A_77 = arith.muli %mul3A_23, %mul3A_76 : i32
        %add3A_78 = arith.addi %mul3A_77, %scan3A_68 : i32
        %mul3A_79 = arith.constant 10 : i32
        %mul3A_80 = arith.muli %add3A_78, %mul3A_79 : i32
        %add3A_81 = arith.constant 1 : i32
        %add3A_82 = arith.addi %mul3A_80, %add3A_81 : i32
        %broadcast_in_dim3A_83 = vector.broadcast %add3A_82 : i32 to vector<16xi32>
        %gather3A_84 = tpu.vector_load_idx %arg7[%broadcast_in_dim3A_83] : memref<2560xf32, #tpu.memory_space<vmem>>[vector<16xi32>], vector<16xf32>,
        %mul3A_85 = arith.constant 8 : i32
        %mul3A_86 = arith.muli %mul3A_23, %mul3A_85 : i32
        %add3A_87 = arith.addi %mul3A_86, %scan3A_68 : i32
        %mul3A_88 = arith.constant 10 : i32
        %mul3A_89 = arith.muli %add3A_87, %mul3A_88 : i32
        %add3A_90 = arith.constant 2 : i32
        %add3A_91 = arith.addi %mul3A_89, %add3A_90 : i32
        %broadcast_in_dim3A_92 = vector.broadcast %add3A_91 : i32 to vector<16xi32>
        %gather3A_93 = tpu.vector_load_idx %arg7[%broadcast_in_dim3A_92] : memref<2560xf32, #tpu.memory_space<vmem>>[vector<16xi32>], vector<16xf32>,
        %mul3A_94 = arith.constant 8 : i32
        %mul3A_95 = arith.muli %mul3A_23, %mul3A_94 : i32
        %add3A_96 = arith.addi %mul3A_95, %scan3A_68 : i32
        %mul3A_97 = arith.constant 10 : i32
        %mul3A_98 = arith.muli %add3A_96, %mul3A_97 : i32
        %add3A_99 = arith.constant 3 : i32
        %add3A_100 = arith.addi %mul3A_98, %add3A_99 : i32
        %broadcast_in_dim3A_101 = vector.broadcast %add3A_100 : i32 to vector<16xi32>
        %gather3A_102 = tpu.vector_load_idx %arg7[%broadcast_in_dim3A_101] : memref<2560xf32, #tpu.memory_space<vmem>>[vector<16xi32>], vector<16xf32>,
        %mul3A_103 = arith.constant 8 : i32
        %mul3A_104 = arith.muli %mul3A_23, %mul3A_103 : i32
        %add3A_105 = arith.addi %mul3A_104, %scan3A_68 : i32
        %mul3A_106 = arith.constant 10 : i32
        %mul3A_107 = arith.muli %add3A_105, %mul3A_106 : i32
        %add3A_108 = arith.constant 4 : i32
        %add3A_109 = arith.addi %mul3A_107, %add3A_108 : i32
        %broadcast_in_dim3A_110 = vector.broadcast %add3A_109 : i32 to vector<16xi32>
        %gather3A_111 = tpu.vector_load_idx %arg7[%broadcast_in_dim3A_110] : memref<2560xf32, #tpu.memory_space<vmem>>[vector<16xi32>], vector<16xf32>,
        %mul3A_112 = arith.constant 8 : i32
        %mul3A_113 = arith.muli %mul3A_23, %mul3A_112 : i32
        %add3A_114 = arith.addi %mul3A_113, %scan3A_68 : i32
        %mul3A_115 = arith.constant 10 : i32
        %mul3A_116 = arith.muli %add3A_114, %mul3A_115 : i32
        %add3A_117 = arith.constant 5 : i32
        %add3A_118 = arith.addi %mul3A_116, %add3A_117 : i32
        %broadcast_in_dim3A_119 = vector.broadcast %add3A_118 : i32 to vector<16xi32>
        %gather3A_120 = tpu.vector_load_idx %arg7[%broadcast_in_dim3A_119] : memref<2560xf32, #tpu.memory_space<vmem>>[vector<16xi32>], vector<16xf32>,
        %mul3A_121 = arith.constant 8 : i32
        %mul3A_122 = arith.muli %mul3A_23, %mul3A_121 : i32
        %add3A_123 = arith.addi %mul3A_122, %scan3A_68 : i32
        %mul3A_124 = arith.constant 10 : i32
        %mul3A_125 = arith.muli %add3A_123, %mul3A_124 : i32
        %add3A_126 = arith.constant 6 : i32
        %add3A_127 = arith.addi %mul3A_125, %add3A_126 : i32
        %broadcast_in_dim3A_128 = vector.broadcast %add3A_127 : i32 to vector<16xi32>
        %gather3A_129 = tpu.vector_load_idx %arg7[%broadcast_in_dim3A_128] : memref<2560xf32, #tpu.memory_space<vmem>>[vector<16xi32>], vector<16xf32>,
        %mul3A_130 = arith.constant 8 : i32
        %mul3A_131 = arith.muli %mul3A_23, %mul3A_130 : i32
        %add3A_132 = arith.addi %mul3A_131, %scan3A_68 : i32
        %mul3A_133 = arith.constant 10 : i32
        %mul3A_134 = arith.muli %add3A_132, %mul3A_133 : i32
        %add3A_135 = arith.constant 7 : i32
        %add3A_136 = arith.addi %mul3A_134, %add3A_135 : i32
        %broadcast_in_dim3A_137 = vector.broadcast %add3A_136 : i32 to vector<16xi32>
        %gather3A_138 = tpu.vector_load_idx %arg7[%broadcast_in_dim3A_137] : memref<2560xf32, #tpu.memory_space<vmem>>[vector<16xi32>], vector<16xf32>,
        %mul3A_139 = arith.constant 8 : i32
        %mul3A_140 = arith.muli %mul3A_23, %mul3A_139 : i32
        %add3A_141 = arith.addi %mul3A_140, %scan3A_68 : i32
        %mul3A_142 = arith.constant 10 : i32
        %mul3A_143 = arith.muli %add3A_141, %mul3A_142 : i32
        %add3A_144 = arith.constant 8 : i32
        %add3A_145 = arith.addi %mul3A_143, %add3A_144 : i32
        %broadcast_in_dim3A_146 = vector.broadcast %add3A_145 : i32 to vector<16xi32>
        %gather3A_147 = tpu.vector_load_idx %arg7[%broadcast_in_dim3A_146] : memref<2560xf32, #tpu.memory_space<vmem>>[vector<16xi32>], vector<16xf32>,
        %mul3A_148 = arith.constant 8 : i32
        %mul3A_149 = arith.muli %mul3A_23, %mul3A_148 : i32
        %add3A_150 = arith.addi %mul3A_149, %scan3A_68 : i32
        %mul3A_151 = arith.constant 10 : i32
        %mul3A_152 = arith.muli %add3A_150, %mul3A_151 : i32
        %add3A_153 = arith.constant 9 : i32
        %add3A_154 = arith.addi %mul3A_152, %add3A_153 : i32
        %broadcast_in_dim3A_155 = vector.broadcast %add3A_154 : i32 to vector<16xi32>
        %gather3A_156 = tpu.vector_load_idx %arg7[%broadcast_in_dim3A_155] : memref<2560xf32, #tpu.memory_space<vmem>>[vector<16xi32>], vector<16xf32>,
        %scan3A_157 = arith.constant 0 : i32
        %scan3A_158 = arith.constant 16 : i32
        %scan3A_159 = arith.addi %scan3A_157, %scan3A_158 : i32
        %scan3A_160 = arith.constant 1 : i32
        scf.for %scan3A_162 = %scan3A_157 to %scan3A_159 step %scan3A_160  : i32 {
          %mul3A_163 = arith.constant 16 : i32
          %mul3A_164 = arith.muli %scan3A_162, %mul3A_163 : i32
          %mul3A_165 = arith.constant 10 : i32
          %mul3A_166 = arith.muli %scan3A_68, %mul3A_165 : i32
          %get3A = arith.index_cast %mul3A_166 : i32 to index
          %get3A_167 = arith.index_cast %mul3A_164 : i32 to index
          %get3A_168 = tpu.vector_load %arg8[%get3A, %get3A_167] {strides = array<i32>} : memref<80x256xf32, #tpu.memory_space<vmem>>, vector<16xf32>,
          %mul3A_169 = arith.mulf %gather3A, %get3A_168 : vector<16xf32>
          %mul3A_170 = arith.constant 10 : i32
          %mul3A_171 = arith.muli %scan3A_68, %mul3A_170 : i32
          %add3A_172 = arith.constant 1 : i32
          %add3A_173 = arith.addi %mul3A_171, %add3A_172 : i32
          %get3A_174 = arith.index_cast %add3A_173 : i32 to index
          %get3A_175 = arith.index_cast %mul3A_164 : i32 to index
          %get3A_176 = tpu.vector_load %arg8[%get3A_174, %get3A_175] {strides = array<i32>} : memref<80x256xf32, #tpu.memory_space<vmem>>, vector<16xf32>,
          %mul3A_177 = arith.mulf %gather3A_84, %get3A_176 : vector<16xf32>
          %add3A_178 = arith.addf %mul3A_169, %mul3A_177 : vector<16xf32>
          %mul3A_179 = arith.constant 10 : i32
          %mul3A_180 = arith.muli %scan3A_68, %mul3A_179 : i32
          %add3A_181 = arith.constant 2 : i32
          %add3A_182 = arith.addi %mul3A_180, %add3A_181 : i32
          %get3A_183 = arith.index_cast %add3A_182 : i32 to index
          %get3A_184 = arith.index_cast %mul3A_164 : i32 to index
          %get3A_185 = tpu.vector_load %arg8[%get3A_183, %get3A_184] {strides = array<i32>} : memref<80x256xf32, #tpu.memory_space<vmem>>, vector<16xf32>,
          %mul3A_186 = arith.mulf %gather3A_93, %get3A_185 : vector<16xf32>
          %add3A_187 = arith.addf %add3A_178, %mul3A_186 : vector<16xf32>
          %mul3A_188 = arith.constant 10 : i32
          %mul3A_189 = arith.muli %scan3A_68, %mul3A_188 : i32
          %add3A_190 = arith.constant 3 : i32
          %add3A_191 = arith.addi %mul3A_189, %add3A_190 : i32
          %get3A_192 = arith.index_cast %add3A_191 : i32 to index
          %get3A_193 = arith.index_cast %mul3A_164 : i32 to index
          %get3A_194 = tpu.vector_load %arg8[%get3A_192, %get3A_193] {strides = array<i32>} : memref<80x256xf32, #tpu.memory_space<vmem>>, vector<16xf32>,
          %mul3A_195 = arith.mulf %gather3A_102, %get3A_194 : vector<16xf32>
          %add3A_196 = arith.addf %add3A_187, %mul3A_195 : vector<16xf32>
          %mul3A_197 = arith.constant 10 : i32
          %mul3A_198 = arith.muli %scan3A_68, %mul3A_197 : i32
          %add3A_199 = arith.constant 4 : i32
          %add3A_200 = arith.addi %mul3A_198, %add3A_199 : i32
          %get3A_201 = arith.index_cast %add3A_200 : i32 to index
          %get3A_202 = arith.index_cast %mul3A_164 : i32 to index
          %get3A_203 = tpu.vector_load %arg8[%get3A_201, %get3A_202] {strides = array<i32>} : memref<80x256xf32, #tpu.memory_space<vmem>>, vector<16xf32>,
          %mul3A_204 = arith.mulf %gather3A_111, %get3A_203 : vector<16xf32>
          %add3A_205 = arith.addf %add3A_196, %mul3A_204 : vector<16xf32>
          %mul3A_206 = arith.constant 10 : i32
          %mul3A_207 = arith.muli %scan3A_68, %mul3A_206 : i32
          %add3A_208 = arith.constant 5 : i32
          %add3A_209 = arith.addi %mul3A_207, %add3A_208 : i32
          %get3A_210 = arith.index_cast %add3A_209 : i32 to index
          %get3A_211 = arith.index_cast %mul3A_164 : i32 to index
          %get3A_212 = tpu.vector_load %arg8[%get3A_210, %get3A_211] {strides = array<i32>} : memref<80x256xf32, #tpu.memory_space<vmem>>, vector<16xf32>,
          %mul3A_213 = arith.mulf %gather3A_120, %get3A_212 : vector<16xf32>
          %add3A_214 = arith.addf %add3A_205, %mul3A_213 : vector<16xf32>
          %mul3A_215 = arith.constant 10 : i32
          %mul3A_216 = arith.muli %scan3A_68, %mul3A_215 : i32
          %add3A_217 = arith.constant 6 : i32
          %add3A_218 = arith.addi %mul3A_216, %add3A_217 : i32
          %get3A_219 = arith.index_cast %add3A_218 : i32 to index
          %get3A_220 = arith.index_cast %mul3A_164 : i32 to index
          %get3A_221 = tpu.vector_load %arg8[%get3A_219, %get3A_220] {strides = array<i32>} : memref<80x256xf32, #tpu.memory_space<vmem>>, vector<16xf32>,
          %mul3A_222 = arith.mulf %gather3A_129, %get3A_221 : vector<16xf32>
          %add3A_223 = arith.addf %add3A_214, %mul3A_222 : vector<16xf32>
          %mul3A_224 = arith.constant 10 : i32
          %mul3A_225 = arith.muli %scan3A_68, %mul3A_224 : i32
          %add3A_226 = arith.constant 7 : i32
          %add3A_227 = arith.addi %mul3A_225, %add3A_226 : i32
          %get3A_228 = arith.index_cast %add3A_227 : i32 to index
          %get3A_229 = arith.index_cast %mul3A_164 : i32 to index
          %get3A_230 = tpu.vector_load %arg8[%get3A_228, %get3A_229] {strides = array<i32>} : memref<80x256xf32, #tpu.memory_space<vmem>>, vector<16xf32>,
          %mul3A_231 = arith.mulf %gather3A_138, %get3A_230 : vector<16xf32>
          %add3A_232 = arith.addf %add3A_223, %mul3A_231 : vector<16xf32>
          %mul3A_233 = arith.constant 10 : i32
          %mul3A_234 = arith.muli %scan3A_68, %mul3A_233 : i32
          %add3A_235 = arith.constant 8 : i32
          %add3A_236 = arith.addi %mul3A_234, %add3A_235 : i32
          %get3A_237 = arith.index_cast %add3A_236 : i32 to index
          %get3A_238 = arith.index_cast %mul3A_164 : i32 to index
          %get3A_239 = tpu.vector_load %arg8[%get3A_237, %get3A_238] {strides = array<i32>} : memref<80x256xf32, #tpu.memory_space<vmem>>, vector<16xf32>,
          %mul3A_240 = arith.mulf %gather3A_147, %get3A_239 : vector<16xf32>
          %add3A_241 = arith.addf %add3A_232, %mul3A_240 : vector<16xf32>
          %mul3A_242 = arith.constant 10 : i32
          %mul3A_243 = arith.muli %scan3A_68, %mul3A_242 : i32
          %add3A_244 = arith.constant 9 : i32
          %add3A_245 = arith.addi %mul3A_243, %add3A_244 : i32
          %get3A_246 = arith.index_cast %add3A_245 : i32 to index
          %get3A_247 = arith.index_cast %mul3A_164 : i32 to index
          %get3A_248 = tpu.vector_load %arg8[%get3A_246, %get3A_247] {strides = array<i32>} : memref<80x256xf32, #tpu.memory_space<vmem>>, vector<16xf32>,
          %mul3A_249 = arith.mulf %gather3A_156, %get3A_248 : vector<16xf32>
          %add3A_250 = arith.addf %add3A_241, %mul3A_249 : vector<16xf32>
          %swap3A = arith.index_cast %scan3A_68 : i32 to index
          %swap3A_251 = arith.index_cast %mul3A_164 : i32 to index
          %swap3A_252 = tpu.vector_load %arg10[%swap3A, %swap3A_251] {strides = array<i32>} : memref<8x256xf32, #tpu.memory_space<vmem>>, vector<16xf32>,
          tpu.vector_store %arg10[%swap3A, %swap3A_251], %add3A_250 {strides = array<i32>} : memref<8x256xf32, #tpu.memory_space<vmem>>, vector<16xf32>,
        }
        %scan3A_161 = arith.constant 16 : i32
      }
      %scan3A_34 = arith.constant 8 : i32
      %mul3A_35 = arith.constant 8 : i32
      %mul3A_36 = arith.muli %mul3A_23, %mul3A_35 : i32
      %add3A_37 = arith.addi %mul3A_2, %mul3A_36 : i32
      "tpu.region"() ({
        %run_scoped3A = tpu.sem_alloc : memref<!tpu.dma_semaphore, #tpu.memory_space<semaphore_mem>>
        %dma_start3A_68 = arith.constant 0 : i32
        %dma_start3A_69 = tpu.memref_slice %arg5[%add3A_37, %dma_start3A_68] : memref<8192x256xf32, #tpu.memory_space<hbm>> -> memref<8x256xf32, #tpu.memory_space<hbm>>
        %dma_start3A_70 = arith.constant 0 : i32
        %dma_start3A_71 = tpu.memref_slice %arg5[%add3A_37, %dma_start3A_70] : memref<8192x256xf32, #tpu.memory_space<hbm>> -> memref<8x256xf32, #tpu.memory_space<hbm>>
        tpu.enqueue_dma source(%arg10 : memref<8x256xf32, #tpu.memory_space<vmem>>) target(%dma_start3A_71 : memref<8x256xf32, #tpu.memory_space<hbm>>) target_semaphore(%run_scoped3A : memref<!tpu.dma_semaphore, #tpu.memory_space<semaphore_mem>>)
        %dma_wait3A_72 = arith.constant 0 : i32
        %dma_wait3A_73 = tpu.memref_slice %arg5[%add3A_37, %dma_wait3A_72] : memref<8192x256xf32, #tpu.memory_space<hbm>> -> memref<8x256xf32, #tpu.memory_space<hbm>>
        %dma_wait3A_74 = arith.constant 0 : i32
        %dma_wait3A_75 = tpu.memref_slice %arg5[%add3A_37, %dma_wait3A_74] : memref<8192x256xf32, #tpu.memory_space<hbm>> -> memref<8x256xf32, #tpu.memory_space<hbm>>
        tpu.wait_dma2 semaphore(%run_scoped3A : memref<!tpu.dma_semaphore, #tpu.memory_space<semaphore_mem>>) src(%arg10 : memref<8x256xf32, #tpu.memory_space<vmem>>) dst(%dma_wait3A_75 : memref<8x256xf32, #tpu.memory_space<hbm>>)
        tpu.yield
      }) : () -> ()
      %add3A_38 = arith.constant 2 : i32
      %add3A_39 = arith.addi %mul3A_23, %add3A_38 : i32
      %lt3A = arith.constant 32 : i32
      %lt3A_40 = arith.cmpi slt, %add3A_39, %lt3A : i32
      %convert_element_type3A = arith.extui %lt3A_40 : i1 to i32
      %cond3A = arith.constant 0 : i32
      %cond3A_41 = arith.cmpi ne, %convert_element_type3A, %cond3A : i32
      scf.if %cond3A_41 {
        %add3A_68 = arith.constant 2 : i32
        %add3A_69 = arith.addi %mul3A_23, %add3A_68 : i32
        %mul3A_70 = arith.constant 80 : i32
        %mul3A_71 = arith.muli %add3A_69, %mul3A_70 : i32
        %dma_start3A_72 = tpu.memref_slice %arg6[%mul3A_71] : memref<2560xi32, #tpu.memory_space<vmem>> -> memref<80xi32, #tpu.memory_space<vmem>>
        %dma_start3A_73 = arith.constant 0 : i32
        %dma_start3A_74 = arith.constant 0 : i32
        %dma_start3A_75 = tpu.memref_slice %arg2[%dma_start3A_73, %dma_start3A_74] : memref<40960x256xf32, #tpu.memory_space<hbm>> -> memref<40960x256xf32, #tpu.memory_space<hbm>>
        tpu.enqueue_indirect_dma source(%dma_start3A_75 : memref<40960x256xf32, #tpu.memory_space<hbm>>) target(%arg8 : memref<80x256xf32, #tpu.memory_space<vmem>>) offsets(%dma_start3A_72 : memref<80xi32, #tpu.memory_space<vmem>>) semaphore(%arg11 : memref<!tpu.dma_semaphore, #tpu.memory_space<semaphore_mem>>)
      } else {
      }
      %add3A_42 = arith.constant 1 : i32
      %add3A_43 = arith.addi %mul3A_23, %add3A_42 : i32
      %mul3A_44 = arith.constant 80 : i32
      %mul3A_45 = arith.muli %add3A_43, %mul3A_44 : i32
      %dma_wait3A_46 = tpu.memref_slice %arg6[%mul3A_45] : memref<2560xi32, #tpu.memory_space<vmem>> -> memref<80xi32, #tpu.memory_space<vmem>>
      %dma_wait3A_47 = arith.constant 0 : i32
      %dma_wait3A_48 = arith.constant 0 : i32
      %dma_wait3A_49 = tpu.memref_slice %arg2[%dma_wait3A_47, %dma_wait3A_48] : memref<40960x256xf32, #tpu.memory_space<hbm>> -> memref<40960x256xf32, #tpu.memory_space<hbm>>
      tpu.wait_indirect_dma semaphore(%arg12 : memref<!tpu.dma_semaphore, #tpu.memory_space<semaphore_mem>>) src(%dma_wait3A_49 : memref<40960x256xf32, #tpu.memory_space<hbm>>) dst(%arg9 : memref<80x256xf32, #tpu.memory_space<vmem>>)
      %add3A_50 = arith.constant 1 : i32
      %add3A_51 = arith.addi %mul3A_23, %add3A_50 : i32
      %scan3A_52 = arith.constant 0 : i32
      %scan3A_53 = arith.constant 0 : i32
      %scan3A_54 = arith.constant 8 : i32
      %scan3A_55 = arith.addi %scan3A_53, %scan3A_54 : i32
      %scan3A_56 = arith.constant 1 : i32
      scf.for %scan3A_68 = %scan3A_53 to %scan3A_55 step %scan3A_56  : i32 {
        %mul3A_69 = arith.constant 8 : i32
        %mul3A_70 = arith.muli %add3A_51, %mul3A_69 : i32
        %add3A_71 = arith.addi %mul3A_70, %scan3A_68 : i32
        %mul3A_72 = arith.constant 10 : i32
        %mul3A_73 = arith.muli %add3A_71, %mul3A_72 : i32
        %add3A_74 = arith.constant 0 : i32
        %add3A_75 = arith.addi %mul3A_73, %add3A_74 : i32
        %broadcast_in_dim3A = vector.broadcast %add3A_75 : i32 to vector<16xi32>
        %gather3A = tpu.vector_load_idx %arg7[%broadcast_in_dim3A] : memref<2560xf32, #tpu.memory_space<vmem>>[vector<16xi32>], vector<16xf32>,
        %mul3A_76 = arith.constant 8 : i32
        %mul3A_77 = arith.muli %add3A_51, %mul3A_76 : i32
        %add3A_78 = arith.addi %mul3A_77, %scan3A_68 : i32
        %mul3A_79 = arith.constant 10 : i32
        %mul3A_80 = arith.muli %add3A_78, %mul3A_79 : i32
        %add3A_81 = arith.constant 1 : i32
        %add3A_82 = arith.addi %mul3A_80, %add3A_81 : i32
        %broadcast_in_dim3A_83 = vector.broadcast %add3A_82 : i32 to vector<16xi32>
        %gather3A_84 = tpu.vector_load_idx %arg7[%broadcast_in_dim3A_83] : memref<2560xf32, #tpu.memory_space<vmem>>[vector<16xi32>], vector<16xf32>,
        %mul3A_85 = arith.constant 8 : i32
        %mul3A_86 = arith.muli %add3A_51, %mul3A_85 : i32
        %add3A_87 = arith.addi %mul3A_86, %scan3A_68 : i32
        %mul3A_88 = arith.constant 10 : i32
        %mul3A_89 = arith.muli %add3A_87, %mul3A_88 : i32
        %add3A_90 = arith.constant 2 : i32
        %add3A_91 = arith.addi %mul3A_89, %add3A_90 : i32
        %broadcast_in_dim3A_92 = vector.broadcast %add3A_91 : i32 to vector<16xi32>
        %gather3A_93 = tpu.vector_load_idx %arg7[%broadcast_in_dim3A_92] : memref<2560xf32, #tpu.memory_space<vmem>>[vector<16xi32>], vector<16xf32>,
        %mul3A_94 = arith.constant 8 : i32
        %mul3A_95 = arith.muli %add3A_51, %mul3A_94 : i32
        %add3A_96 = arith.addi %mul3A_95, %scan3A_68 : i32
        %mul3A_97 = arith.constant 10 : i32
        %mul3A_98 = arith.muli %add3A_96, %mul3A_97 : i32
        %add3A_99 = arith.constant 3 : i32
        %add3A_100 = arith.addi %mul3A_98, %add3A_99 : i32
        %broadcast_in_dim3A_101 = vector.broadcast %add3A_100 : i32 to vector<16xi32>
        %gather3A_102 = tpu.vector_load_idx %arg7[%broadcast_in_dim3A_101] : memref<2560xf32, #tpu.memory_space<vmem>>[vector<16xi32>], vector<16xf32>,
        %mul3A_103 = arith.constant 8 : i32
        %mul3A_104 = arith.muli %add3A_51, %mul3A_103 : i32
        %add3A_105 = arith.addi %mul3A_104, %scan3A_68 : i32
        %mul3A_106 = arith.constant 10 : i32
        %mul3A_107 = arith.muli %add3A_105, %mul3A_106 : i32
        %add3A_108 = arith.constant 4 : i32
        %add3A_109 = arith.addi %mul3A_107, %add3A_108 : i32
        %broadcast_in_dim3A_110 = vector.broadcast %add3A_109 : i32 to vector<16xi32>
        %gather3A_111 = tpu.vector_load_idx %arg7[%broadcast_in_dim3A_110] : memref<2560xf32, #tpu.memory_space<vmem>>[vector<16xi32>], vector<16xf32>,
        %mul3A_112 = arith.constant 8 : i32
        %mul3A_113 = arith.muli %add3A_51, %mul3A_112 : i32
        %add3A_114 = arith.addi %mul3A_113, %scan3A_68 : i32
        %mul3A_115 = arith.constant 10 : i32
        %mul3A_116 = arith.muli %add3A_114, %mul3A_115 : i32
        %add3A_117 = arith.constant 5 : i32
        %add3A_118 = arith.addi %mul3A_116, %add3A_117 : i32
        %broadcast_in_dim3A_119 = vector.broadcast %add3A_118 : i32 to vector<16xi32>
        %gather3A_120 = tpu.vector_load_idx %arg7[%broadcast_in_dim3A_119] : memref<2560xf32, #tpu.memory_space<vmem>>[vector<16xi32>], vector<16xf32>,
        %mul3A_121 = arith.constant 8 : i32
        %mul3A_122 = arith.muli %add3A_51, %mul3A_121 : i32
        %add3A_123 = arith.addi %mul3A_122, %scan3A_68 : i32
        %mul3A_124 = arith.constant 10 : i32
        %mul3A_125 = arith.muli %add3A_123, %mul3A_124 : i32
        %add3A_126 = arith.constant 6 : i32
        %add3A_127 = arith.addi %mul3A_125, %add3A_126 : i32
        %broadcast_in_dim3A_128 = vector.broadcast %add3A_127 : i32 to vector<16xi32>
        %gather3A_129 = tpu.vector_load_idx %arg7[%broadcast_in_dim3A_128] : memref<2560xf32, #tpu.memory_space<vmem>>[vector<16xi32>], vector<16xf32>,
        %mul3A_130 = arith.constant 8 : i32
        %mul3A_131 = arith.muli %add3A_51, %mul3A_130 : i32
        %add3A_132 = arith.addi %mul3A_131, %scan3A_68 : i32
        %mul3A_133 = arith.constant 10 : i32
        %mul3A_134 = arith.muli %add3A_132, %mul3A_133 : i32
        %add3A_135 = arith.constant 7 : i32
        %add3A_136 = arith.addi %mul3A_134, %add3A_135 : i32
        %broadcast_in_dim3A_137 = vector.broadcast %add3A_136 : i32 to vector<16xi32>
        %gather3A_138 = tpu.vector_load_idx %arg7[%broadcast_in_dim3A_137] : memref<2560xf32, #tpu.memory_space<vmem>>[vector<16xi32>], vector<16xf32>,
        %mul3A_139 = arith.constant 8 : i32
        %mul3A_140 = arith.muli %add3A_51, %mul3A_139 : i32
        %add3A_141 = arith.addi %mul3A_140, %scan3A_68 : i32
        %mul3A_142 = arith.constant 10 : i32
        %mul3A_143 = arith.muli %add3A_141, %mul3A_142 : i32
        %add3A_144 = arith.constant 8 : i32
        %add3A_145 = arith.addi %mul3A_143, %add3A_144 : i32
        %broadcast_in_dim3A_146 = vector.broadcast %add3A_145 : i32 to vector<16xi32>
        %gather3A_147 = tpu.vector_load_idx %arg7[%broadcast_in_dim3A_146] : memref<2560xf32, #tpu.memory_space<vmem>>[vector<16xi32>], vector<16xf32>,
        %mul3A_148 = arith.constant 8 : i32
        %mul3A_149 = arith.muli %add3A_51, %mul3A_148 : i32
        %add3A_150 = arith.addi %mul3A_149, %scan3A_68 : i32
        %mul3A_151 = arith.constant 10 : i32
        %mul3A_152 = arith.muli %add3A_150, %mul3A_151 : i32
        %add3A_153 = arith.constant 9 : i32
        %add3A_154 = arith.addi %mul3A_152, %add3A_153 : i32
        %broadcast_in_dim3A_155 = vector.broadcast %add3A_154 : i32 to vector<16xi32>
        %gather3A_156 = tpu.vector_load_idx %arg7[%broadcast_in_dim3A_155] : memref<2560xf32, #tpu.memory_space<vmem>>[vector<16xi32>], vector<16xf32>,
        %scan3A_157 = arith.constant 0 : i32
        %scan3A_158 = arith.constant 16 : i32
        %scan3A_159 = arith.addi %scan3A_157, %scan3A_158 : i32
        %scan3A_160 = arith.constant 1 : i32
        scf.for %scan3A_162 = %scan3A_157 to %scan3A_159 step %scan3A_160  : i32 {
          %mul3A_163 = arith.constant 16 : i32
          %mul3A_164 = arith.muli %scan3A_162, %mul3A_163 : i32
          %mul3A_165 = arith.constant 10 : i32
          %mul3A_166 = arith.muli %scan3A_68, %mul3A_165 : i32
          %get3A = arith.index_cast %mul3A_166 : i32 to index
          %get3A_167 = arith.index_cast %mul3A_164 : i32 to index
          %get3A_168 = tpu.vector_load %arg9[%get3A, %get3A_167] {strides = array<i32>} : memref<80x256xf32, #tpu.memory_space<vmem>>, vector<16xf32>,
          %mul3A_169 = arith.mulf %gather3A, %get3A_168 : vector<16xf32>
          %mul3A_170 = arith.constant 10 : i32
          %mul3A_171 = arith.muli %scan3A_68, %mul3A_170 : i32
          %add3A_172 = arith.constant 1 : i32
          %add3A_173 = arith.addi %mul3A_171, %add3A_172 : i32
          %get3A_174 = arith.index_cast %add3A_173 : i32 to index
          %get3A_175 = arith.index_cast %mul3A_164 : i32 to index
          %get3A_176 = tpu.vector_load %arg9[%get3A_174, %get3A_175] {strides = array<i32>} : memref<80x256xf32, #tpu.memory_space<vmem>>, vector<16xf32>,
          %mul3A_177 = arith.mulf %gather3A_84, %get3A_176 : vector<16xf32>
          %add3A_178 = arith.addf %mul3A_169, %mul3A_177 : vector<16xf32>
          %mul3A_179 = arith.constant 10 : i32
          %mul3A_180 = arith.muli %scan3A_68, %mul3A_179 : i32
          %add3A_181 = arith.constant 2 : i32
          %add3A_182 = arith.addi %mul3A_180, %add3A_181 : i32
          %get3A_183 = arith.index_cast %add3A_182 : i32 to index
          %get3A_184 = arith.index_cast %mul3A_164 : i32 to index
          %get3A_185 = tpu.vector_load %arg9[%get3A_183, %get3A_184] {strides = array<i32>} : memref<80x256xf32, #tpu.memory_space<vmem>>, vector<16xf32>,
          %mul3A_186 = arith.mulf %gather3A_93, %get3A_185 : vector<16xf32>
          %add3A_187 = arith.addf %add3A_178, %mul3A_186 : vector<16xf32>
          %mul3A_188 = arith.constant 10 : i32
          %mul3A_189 = arith.muli %scan3A_68, %mul3A_188 : i32
          %add3A_190 = arith.constant 3 : i32
          %add3A_191 = arith.addi %mul3A_189, %add3A_190 : i32
          %get3A_192 = arith.index_cast %add3A_191 : i32 to index
          %get3A_193 = arith.index_cast %mul3A_164 : i32 to index
          %get3A_194 = tpu.vector_load %arg9[%get3A_192, %get3A_193] {strides = array<i32>} : memref<80x256xf32, #tpu.memory_space<vmem>>, vector<16xf32>,
          %mul3A_195 = arith.mulf %gather3A_102, %get3A_194 : vector<16xf32>
          %add3A_196 = arith.addf %add3A_187, %mul3A_195 : vector<16xf32>
          %mul3A_197 = arith.constant 10 : i32
          %mul3A_198 = arith.muli %scan3A_68, %mul3A_197 : i32
          %add3A_199 = arith.constant 4 : i32
          %add3A_200 = arith.addi %mul3A_198, %add3A_199 : i32
          %get3A_201 = arith.index_cast %add3A_200 : i32 to index
          %get3A_202 = arith.index_cast %mul3A_164 : i32 to index
          %get3A_203 = tpu.vector_load %arg9[%get3A_201, %get3A_202] {strides = array<i32>} : memref<80x256xf32, #tpu.memory_space<vmem>>, vector<16xf32>,
          %mul3A_204 = arith.mulf %gather3A_111, %get3A_203 : vector<16xf32>
          %add3A_205 = arith.addf %add3A_196, %mul3A_204 : vector<16xf32>
          %mul3A_206 = arith.constant 10 : i32
          %mul3A_207 = arith.muli %scan3A_68, %mul3A_206 : i32
          %add3A_208 = arith.constant 5 : i32
          %add3A_209 = arith.addi %mul3A_207, %add3A_208 : i32
          %get3A_210 = arith.index_cast %add3A_209 : i32 to index
          %get3A_211 = arith.index_cast %mul3A_164 : i32 to index
          %get3A_212 = tpu.vector_load %arg9[%get3A_210, %get3A_211] {strides = array<i32>} : memref<80x256xf32, #tpu.memory_space<vmem>>, vector<16xf32>,
          %mul3A_213 = arith.mulf %gather3A_120, %get3A_212 : vector<16xf32>
          %add3A_214 = arith.addf %add3A_205, %mul3A_213 : vector<16xf32>
          %mul3A_215 = arith.constant 10 : i32
          %mul3A_216 = arith.muli %scan3A_68, %mul3A_215 : i32
          %add3A_217 = arith.constant 6 : i32
          %add3A_218 = arith.addi %mul3A_216, %add3A_217 : i32
          %get3A_219 = arith.index_cast %add3A_218 : i32 to index
          %get3A_220 = arith.index_cast %mul3A_164 : i32 to index
          %get3A_221 = tpu.vector_load %arg9[%get3A_219, %get3A_220] {strides = array<i32>} : memref<80x256xf32, #tpu.memory_space<vmem>>, vector<16xf32>,
          %mul3A_222 = arith.mulf %gather3A_129, %get3A_221 : vector<16xf32>
          %add3A_223 = arith.addf %add3A_214, %mul3A_222 : vector<16xf32>
          %mul3A_224 = arith.constant 10 : i32
          %mul3A_225 = arith.muli %scan3A_68, %mul3A_224 : i32
          %add3A_226 = arith.constant 7 : i32
          %add3A_227 = arith.addi %mul3A_225, %add3A_226 : i32
          %get3A_228 = arith.index_cast %add3A_227 : i32 to index
          %get3A_229 = arith.index_cast %mul3A_164 : i32 to index
          %get3A_230 = tpu.vector_load %arg9[%get3A_228, %get3A_229] {strides = array<i32>} : memref<80x256xf32, #tpu.memory_space<vmem>>, vector<16xf32>,
          %mul3A_231 = arith.mulf %gather3A_138, %get3A_230 : vector<16xf32>
          %add3A_232 = arith.addf %add3A_223, %mul3A_231 : vector<16xf32>
          %mul3A_233 = arith.constant 10 : i32
          %mul3A_234 = arith.muli %scan3A_68, %mul3A_233 : i32
          %add3A_235 = arith.constant 8 : i32
          %add3A_236 = arith.addi %mul3A_234, %add3A_235 : i32
          %get3A_237 = arith.index_cast %add3A_236 : i32 to index
          %get3A_238 = arith.index_cast %mul3A_164 : i32 to index
          %get3A_239 = tpu.vector_load %arg9[%get3A_237, %get3A_238] {strides = array<i32>} : memref<80x256xf32, #tpu.memory_space<vmem>>, vector<16xf32>,
          %mul3A_240 = arith.mulf %gather3A_147, %get3A_239 : vector<16xf32>
          %add3A_241 = arith.addf %add3A_232, %mul3A_240 : vector<16xf32>
          %mul3A_242 = arith.constant 10 : i32
          %mul3A_243 = arith.muli %scan3A_68, %mul3A_242 : i32
          %add3A_244 = arith.constant 9 : i32
          %add3A_245 = arith.addi %mul3A_243, %add3A_244 : i32
          %get3A_246 = arith.index_cast %add3A_245 : i32 to index
          %get3A_247 = arith.index_cast %mul3A_164 : i32 to index
          %get3A_248 = tpu.vector_load %arg9[%get3A_246, %get3A_247] {strides = array<i32>} : memref<80x256xf32, #tpu.memory_space<vmem>>, vector<16xf32>,
          %mul3A_249 = arith.mulf %gather3A_156, %get3A_248 : vector<16xf32>
          %add3A_250 = arith.addf %add3A_241, %mul3A_249 : vector<16xf32>
          %swap3A = arith.index_cast %scan3A_68 : i32 to index
          %swap3A_251 = arith.index_cast %mul3A_164 : i32 to index
          %swap3A_252 = tpu.vector_load %arg10[%swap3A, %swap3A_251] {strides = array<i32>} : memref<8x256xf32, #tpu.memory_space<vmem>>, vector<16xf32>,
          tpu.vector_store %arg10[%swap3A, %swap3A_251], %add3A_250 {strides = array<i32>} : memref<8x256xf32, #tpu.memory_space<vmem>>, vector<16xf32>,
        }
        %scan3A_161 = arith.constant 16 : i32
      }
      %scan3A_57 = arith.constant 8 : i32
      %mul3A_58 = arith.constant 8 : i32
      %mul3A_59 = arith.muli %add3A_51, %mul3A_58 : i32
      %add3A_60 = arith.addi %mul3A_2, %mul3A_59 : i32
      "tpu.region"() ({
        %run_scoped3A = tpu.sem_alloc : memref<!tpu.dma_semaphore, #tpu.memory_space<semaphore_mem>>
        %dma_start3A_68 = arith.constant 0 : i32
        %dma_start3A_69 = tpu.memref_slice %arg5[%add3A_60, %dma_start3A_68] : memref<8192x256xf32, #tpu.memory_space<hbm>> -> memref<8x256xf32, #tpu.memory_space<hbm>>
        %dma_start3A_70 = arith.constant 0 : i32
        %dma_start3A_71 = tpu.memref_slice %arg5[%add3A_60, %dma_start3A_70] : memref<8192x256xf32, #tpu.memory_space<hbm>> -> memref<8x256xf32, #tpu.memory_space<hbm>>
        tpu.enqueue_dma source(%arg10 : memref<8x256xf32, #tpu.memory_space<vmem>>) target(%dma_start3A_71 : memref<8x256xf32, #tpu.memory_space<hbm>>) target_semaphore(%run_scoped3A : memref<!tpu.dma_semaphore, #tpu.memory_space<semaphore_mem>>)
        %dma_wait3A_72 = arith.constant 0 : i32
        %dma_wait3A_73 = tpu.memref_slice %arg5[%add3A_60, %dma_wait3A_72] : memref<8192x256xf32, #tpu.memory_space<hbm>> -> memref<8x256xf32, #tpu.memory_space<hbm>>
        %dma_wait3A_74 = arith.constant 0 : i32
        %dma_wait3A_75 = tpu.memref_slice %arg5[%add3A_60, %dma_wait3A_74] : memref<8192x256xf32, #tpu.memory_space<hbm>> -> memref<8x256xf32, #tpu.memory_space<hbm>>
        tpu.wait_dma2 semaphore(%run_scoped3A : memref<!tpu.dma_semaphore, #tpu.memory_space<semaphore_mem>>) src(%arg10 : memref<8x256xf32, #tpu.memory_space<vmem>>) dst(%dma_wait3A_75 : memref<8x256xf32, #tpu.memory_space<hbm>>)
        tpu.yield
      }) : () -> ()
      %add3A_61 = arith.constant 3 : i32
      %add3A_62 = arith.addi %mul3A_23, %add3A_61 : i32
      %lt3A_63 = arith.constant 32 : i32
      %lt3A_64 = arith.cmpi slt, %add3A_62, %lt3A_63 : i32
      %convert_element_type3A_65 = arith.extui %lt3A_64 : i1 to i32
      %cond3A_66 = arith.constant 0 : i32
      %cond3A_67 = arith.cmpi ne, %convert_element_type3A_65, %cond3A_66 : i32
      scf.if %cond3A_67 {
        %add3A_68 = arith.constant 3 : i32
        %add3A_69 = arith.addi %mul3A_23, %add3A_68 : i32
        %mul3A_70 = arith.constant 80 : i32
        %mul3A_71 = arith.muli %add3A_69, %mul3A_70 : i32
        %dma_start3A_72 = tpu.memref_slice %arg6[%mul3A_71] : memref<2560xi32, #tpu.memory_space<vmem>> -> memref<80xi32, #tpu.memory_space<vmem>>
        %dma_start3A_73 = arith.constant 0 : i32
        %dma_start3A_74 = arith.constant 0 : i32
        %dma_start3A_75 = tpu.memref_slice %arg2[%dma_start3A_73, %dma_start3A_74] : memref<40960x256xf32, #tpu.memory_space<hbm>> -> memref<40960x256xf32, #tpu.memory_space<hbm>>
        tpu.enqueue_indirect_dma source(%dma_start3A_75 : memref<40960x256xf32, #tpu.memory_space<hbm>>) target(%arg9 : memref<80x256xf32, #tpu.memory_space<vmem>>) offsets(%dma_start3A_72 : memref<80xi32, #tpu.memory_space<vmem>>) semaphore(%arg12 : memref<!tpu.dma_semaphore, #tpu.memory_space<semaphore_mem>>)
      } else {
      }
    }
    %scan3A_20 = arith.constant 16 : i32
    return
  }
}

module attributes {stable_mosaic.version = 14 : i64} {
  func.func @_stage1_body(%arg0: i32, %arg1: memref<1x256x2048xf32, #tpu.memory_space<vmem>>, %arg2: memref<3x16x256xf32, #tpu.memory_space<vmem>>, %arg3: memref<16x1xf32, #tpu.memory_space<vmem>>, %arg4: memref<1x16x2048xi32, #tpu.memory_space<vmem>>, %arg5: memref<1x16x2048xf32, #tpu.memory_space<vmem>>) attributes {dimension_semantics = [#tpu.dimension_semantics<arbitrary>], iteration_bounds = array<i64: 4>, scalar_prefetch = 0 : i64, scratch_operands = 0 : i64, tpu.core_type = #tpu.core_type<tc>, window_params = [{transform_indices = @transform_0, window_bounds = array<i64: 1, 256, 2048>}, {pipeline_mode = #tpu.pipeline_mode<synchronous>, transform_indices = @transform_1, window_bounds = array<i64: 3, 16, 256>}, {pipeline_mode = #tpu.pipeline_mode<synchronous>, transform_indices = @transform_2, window_bounds = array<i64: 16, 1>}, {transform_indices = @transform_3, window_bounds = array<i64: 1, 16, 2048>}, {transform_indices = @transform_4, window_bounds = array<i64: 1, 16, 2048>}]} {
    %get3A = arith.constant 0 : index
    %get3A_0 = arith.constant 0 : index
    %get3A_1 = arith.constant 0 : index
    %get3A_2 = vector.load %arg1[%get3A, %get3A_0, %get3A_1] : memref<1x256x2048xf32, #tpu.memory_space<vmem>>, vector<1x256x2048xf32>
    %get3A_3 = vector.shape_cast %get3A_2 : vector<1x256x2048xf32> to vector<256x2048xf32>
    %broadcast_in_dim3A = arith.constant 0.000000e+00 : f32
    %broadcast_in_dim3A_4 = vector.broadcast %broadcast_in_dim3A : f32 to vector<256x1xf32>
    %slice3A = vector.extract_strided_slice %get3A_3 {offsets = [0, 0], sizes = [256, 2047], strides = [1, 1]} : vector<256x2048xf32> to vector<256x2047xf32>
    %concatenate3A = tpu.concatenate %broadcast_in_dim3A_4, %slice3A in 1 : vector<256x1xf32>, vector<256x2047xf32> -> vector<256x2048xf32>
    %slice3A_5 = vector.extract_strided_slice %get3A_3 {offsets = [0, 1], sizes = [256, 2047], strides = [1, 1]} : vector<256x2048xf32> to vector<256x2047xf32>
    %concatenate3A_6 = tpu.concatenate %slice3A_5, %broadcast_in_dim3A_4 in 1 : vector<256x2047xf32>, vector<256x1xf32> -> vector<256x2048xf32>
    %get3A_7 = arith.constant 0 : index
    %get3A_8 = arith.constant 0 : index
    %get3A_9 = arith.constant 0 : index
    %get3A_10 = vector.load %arg2[%get3A_7, %get3A_8, %get3A_9] : memref<3x16x256xf32, #tpu.memory_space<vmem>>, vector<1x16x256xf32>
    %get3A_11 = vector.shape_cast %get3A_10 : vector<1x16x256xf32> to vector<16x256xf32>
    %dot_general3A = arith.constant dense<0.000000e+00> : vector<16x2048xf32>
    %dot_general3A_12 = tpu.matmul %get3A_11, %concatenate3A, %dot_general3A {dimension_numbers = #tpu.dot_dimension_numbers<[1], [0], [0], [1], [0, 0, 1, 1], [], []>, transpose_lhs_hint = false} : vector<16x256xf32>, vector<256x2048xf32>, vector<16x2048xf32> -> vector<16x2048xf32>
    %get3A_13 = arith.constant 1 : index
    %get3A_14 = arith.constant 0 : index
    %get3A_15 = arith.constant 0 : index
    %get3A_16 = vector.load %arg2[%get3A_13, %get3A_14, %get3A_15] : memref<3x16x256xf32, #tpu.memory_space<vmem>>, vector<1x16x256xf32>
    %get3A_17 = vector.shape_cast %get3A_16 : vector<1x16x256xf32> to vector<16x256xf32>
    %dot_general3A_18 = arith.constant dense<0.000000e+00> : vector<16x2048xf32>
    %dot_general3A_19 = tpu.matmul %get3A_17, %get3A_3, %dot_general3A_18 {dimension_numbers = #tpu.dot_dimension_numbers<[1], [0], [0], [1], [0, 0, 1, 1], [], []>, transpose_lhs_hint = false} : vector<16x256xf32>, vector<256x2048xf32>, vector<16x2048xf32> -> vector<16x2048xf32>
    %add3A = arith.addf %dot_general3A_12, %dot_general3A_19 : vector<16x2048xf32>
    %get3A_20 = arith.constant 2 : index
    %get3A_21 = arith.constant 0 : index
    %get3A_22 = arith.constant 0 : index
    %get3A_23 = vector.load %arg2[%get3A_20, %get3A_21, %get3A_22] : memref<3x16x256xf32, #tpu.memory_space<vmem>>, vector<1x16x256xf32>
    %get3A_24 = vector.shape_cast %get3A_23 : vector<1x16x256xf32> to vector<16x256xf32>
    %dot_general3A_25 = arith.constant dense<0.000000e+00> : vector<16x2048xf32>
    %dot_general3A_26 = tpu.matmul %get3A_24, %concatenate3A_6, %dot_general3A_25 {dimension_numbers = #tpu.dot_dimension_numbers<[1], [0], [0], [1], [0, 0, 1, 1], [], []>, transpose_lhs_hint = false} : vector<16x256xf32>, vector<256x2048xf32>, vector<16x2048xf32> -> vector<16x2048xf32>
    %add3A_27 = arith.addf %add3A, %dot_general3A_26 : vector<16x2048xf32>
    %get3A_28 = arith.constant 0 : index
    %get3A_29 = arith.constant 0 : index
    %get3A_30 = vector.load %arg3[%get3A_28, %get3A_29] : memref<16x1xf32, #tpu.memory_space<vmem>>, vector<16x1xf32>
    %add3A_31 = vector.broadcast %get3A_30 : vector<16x1xf32> to vector<16x2048xf32>
    %add3A_32 = arith.addf %add3A_27, %add3A_31 : vector<16x2048xf32>
    %iota3A = tpu.iota {dimensions = array<i32: 1>} : vector<16x2048xi32>
    %convert_element_type3A = arith.sitofp %iota3A : vector<16x2048xi32> to vector<16x2048xf32>
    %iota3A_33 = tpu.iota {dimensions = array<i32: 0>} : vector<16x2048xi32>
    %convert_element_type3A_34 = arith.sitofp %iota3A_33 : vector<16x2048xi32> to vector<16x2048xf32>
    %sub3A = arith.constant 2.000000e+00 : f32
    %sub3A_35 = vector.broadcast %sub3A : f32 to vector<16x2048xf32>
    %sub3A_36 = arith.subf %convert_element_type3A_34, %sub3A_35 : vector<16x2048xf32>
    %add3A_37 = arith.addf %convert_element_type3A, %sub3A_36 : vector<16x2048xf32>
    %add3A_38 = arith.addf %add3A_37, %add3A_32 : vector<16x2048xf32>
    %jit3A = arith.constant 0.000000e+00 : f32
    %jit3A_39 = arith.constant 2.047000e+03 : f32
    %max3A = vector.broadcast %jit3A : f32 to vector<16x2048xf32>
    %max3A_40 = arith.maximumf %max3A, %add3A_38 : vector<16x2048xf32>
    %min3A = vector.broadcast %jit3A_39 : f32 to vector<16x2048xf32>
    %min3A_41 = arith.minimumf %min3A, %max3A_40 : vector<16x2048xf32>
    %floor3A = math.floor %min3A_41 : vector<16x2048xf32>
    %ceil3A = math.ceil %min3A_41 : vector<16x2048xf32>
    %sub3A_42 = arith.subf %ceil3A, %min3A_41 : vector<16x2048xf32>
    %sub3A_43 = arith.subf %min3A_41, %floor3A : vector<16x2048xf32>
    %logistic3A = arith.negf %add3A_32 : vector<16x2048xf32>
    %logistic3A_44 = math.exp %logistic3A : vector<16x2048xf32>
    %logistic3A_45 = arith.constant 1.000000e+00 : f32
    %logistic3A_46 = vector.broadcast %logistic3A_45 : f32 to vector<16x2048xf32>
    %logistic3A_47 = arith.addf %logistic3A_46, %logistic3A_44 : vector<16x2048xf32>
    %logistic3A_48 = arith.divf %logistic3A_46, %logistic3A_47 : vector<16x2048xf32>
    %slice3A_49 = vector.extract_strided_slice %logistic3A_48 {offsets = [8, 0], sizes = [8, 2048], strides = [1, 1]} : vector<16x2048xf32> to vector<8x2048xf32>
    %slice3A_50 = vector.extract_strided_slice %logistic3A_48 {offsets = [0, 0], sizes = [8, 2048], strides = [1, 1]} : vector<16x2048xf32> to vector<8x2048xf32>
    %concatenate3A_51 = tpu.concatenate %slice3A_49, %slice3A_50 in 0 : vector<8x2048xf32>, vector<8x2048xf32> -> vector<16x2048xf32>
    %mul3A = arith.mulf %sub3A_42, %concatenate3A_51 : vector<16x2048xf32>
    %mul3A_52 = arith.mulf %sub3A_43, %concatenate3A_51 : vector<16x2048xf32>
    %mul3A_53 = arith.constant 2048 : i32
    %mul3A_54 = arith.muli %arg0, %mul3A_53 : i32
    %convert_element_type3A_55 = arith.fptosi %floor3A : vector<16x2048xf32> to vector<16x2048xi32>
    %add3A_56 = vector.broadcast %mul3A_54 : i32 to vector<16x2048xi32>
    %add3A_57 = arith.addi %convert_element_type3A_55, %add3A_56 : vector<16x2048xi32>
    %mul3A_58 = arith.constant 5 : i32
    %mul3A_59 = vector.broadcast %mul3A_58 : i32 to vector<16x2048xi32>
    %mul3A_60 = arith.muli %add3A_57, %mul3A_59 : vector<16x2048xi32>
    %add3A_61 = arith.addi %mul3A_60, %iota3A_33 : vector<16x2048xi32>
    %convert_element_type3A_62 = arith.fptosi %ceil3A : vector<16x2048xf32> to vector<16x2048xi32>
    %add3A_63 = vector.broadcast %mul3A_54 : i32 to vector<16x2048xi32>
    %add3A_64 = arith.addi %convert_element_type3A_62, %add3A_63 : vector<16x2048xi32>
    %mul3A_65 = arith.constant 5 : i32
    %mul3A_66 = vector.broadcast %mul3A_65 : i32 to vector<16x2048xi32>
    %mul3A_67 = arith.muli %add3A_64, %mul3A_66 : vector<16x2048xi32>
    %add3A_68 = arith.addi %mul3A_67, %iota3A_33 : vector<16x2048xi32>
    %slice3A_69 = vector.extract_strided_slice %add3A_61 {offsets = [0, 0], sizes = [8, 2048], strides = [1, 1]} : vector<16x2048xi32> to vector<8x2048xi32>
    %slice3A_70 = vector.extract_strided_slice %add3A_68 {offsets = [0, 0], sizes = [8, 2048], strides = [1, 1]} : vector<16x2048xi32> to vector<8x2048xi32>
    %concatenate3A_71 = tpu.concatenate %slice3A_69, %slice3A_70 in 0 : vector<8x2048xi32>, vector<8x2048xi32> -> vector<16x2048xi32>
    %swap3A = arith.constant 0 : index
    %swap3A_72 = arith.constant 0 : index
    %swap3A_73 = arith.constant 0 : index
    %swap3A_74 = vector.load %arg4[%swap3A, %swap3A_72, %swap3A_73] : memref<1x16x2048xi32, #tpu.memory_space<vmem>>, vector<1x16x2048xi32>
    %swap3A_75 = vector.shape_cast %swap3A_74 : vector<1x16x2048xi32> to vector<16x2048xi32>
    %swap3A_76 = vector.shape_cast %concatenate3A_71 : vector<16x2048xi32> to vector<1x16x2048xi32>
    tpu.vector_store %arg4[%swap3A, %swap3A_72, %swap3A_73], %swap3A_76 {strides = array<i32>} : memref<1x16x2048xi32, #tpu.memory_space<vmem>>, vector<1x16x2048xi32>,
    %slice3A_77 = vector.extract_strided_slice %mul3A {offsets = [0, 0], sizes = [8, 2048], strides = [1, 1]} : vector<16x2048xf32> to vector<8x2048xf32>
    %slice3A_78 = vector.extract_strided_slice %mul3A_52 {offsets = [0, 0], sizes = [8, 2048], strides = [1, 1]} : vector<16x2048xf32> to vector<8x2048xf32>
    %concatenate3A_79 = tpu.concatenate %slice3A_77, %slice3A_78 in 0 : vector<8x2048xf32>, vector<8x2048xf32> -> vector<16x2048xf32>
    %swap3A_80 = arith.constant 0 : index
    %swap3A_81 = arith.constant 0 : index
    %swap3A_82 = arith.constant 0 : index
    %swap3A_83 = vector.load %arg5[%swap3A_80, %swap3A_81, %swap3A_82] : memref<1x16x2048xf32, #tpu.memory_space<vmem>>, vector<1x16x2048xf32>
    %swap3A_84 = vector.shape_cast %swap3A_83 : vector<1x16x2048xf32> to vector<16x2048xf32>
    %swap3A_85 = vector.shape_cast %concatenate3A_79 : vector<16x2048xf32> to vector<1x16x2048xf32>
    tpu.vector_store %arg5[%swap3A_80, %swap3A_81, %swap3A_82], %swap3A_85 {strides = array<i32>} : memref<1x16x2048xf32, #tpu.memory_space<vmem>>, vector<1x16x2048xf32>,
    return
  }
  func.func @transform_0(%arg0: i32) -> (i32, i32, i32) {
    %c0_i32 = arith.constant 0 : i32
    %c0_i32_0 = arith.constant 0 : i32
    %c0_i32_1 = arith.constant 0 : i32
    return %arg0, %c0_i32, %c0_i32_0 : i32, i32, i32
  }
  func.func @transform_1(%arg0: i32) -> (i32, i32, i32) {
    %c0_i32 = arith.constant 0 : i32
    %c0_i32_0 = arith.constant 0 : i32
    %c0_i32_1 = arith.constant 0 : i32
    %c0_i32_2 = arith.constant 0 : i32
    return %c0_i32, %c0_i32_0, %c0_i32_1 : i32, i32, i32
  }
  func.func @transform_2(%arg0: i32) -> (i32, i32) {
    %c0_i32 = arith.constant 0 : i32
    %c0_i32_0 = arith.constant 0 : i32
    %c0_i32_1 = arith.constant 0 : i32
    return %c0_i32, %c0_i32_0 : i32, i32
  }
  func.func @transform_3(%arg0: i32) -> (i32, i32, i32) {
    %c0_i32 = arith.constant 0 : i32
    %c0_i32_0 = arith.constant 0 : i32
    %c0_i32_1 = arith.constant 0 : i32
    return %arg0, %c0_i32, %c0_i32_0 : i32, i32, i32
  }
  func.func @transform_4(%arg0: i32) -> (i32, i32, i32) {
    %c0_i32 = arith.constant 0 : i32
    %c0_i32_0 = arith.constant 0 : i32
    %c0_i32_1 = arith.constant 0 : i32
    return %arg0, %c0_i32, %c0_i32_0 : i32, i32, i32
  }
}

module attributes {stable_mosaic.version = 14 : i64} {
  func.func @_scale_body(%arg0: i32, %arg1: memref<512x256xf32, #tpu.memory_space<vmem>>, %arg2: memref<8x256xf32, #tpu.memory_space<vmem>>, %arg3: memref<2560x256xf32, #tpu.memory_space<vmem>>) attributes {dimension_semantics = [#tpu.dimension_semantics<arbitrary>], iteration_bounds = array<i64: 16>, scalar_prefetch = 0 : i64, scratch_operands = 0 : i64, tpu.core_type = #tpu.core_type<tc>, window_params = [{transform_indices = @transform_0, window_bounds = array<i64: 512, 256>}, {pipeline_mode = #tpu.pipeline_mode<synchronous>, transform_indices = @transform_1, window_bounds = array<i64: 8, 256>}, {transform_indices = @transform_2, window_bounds = array<i64: 2560, 256>}]} {
    %get3A = arith.constant 0 : index
    %get3A_0 = arith.constant 0 : index
    %get3A_1 = vector.load %arg1[%get3A, %get3A_0] : memref<512x256xf32, #tpu.memory_space<vmem>>, vector<512x256xf32>
    %broadcast_in_dim3A = vector.shape_cast %get3A_1 : vector<512x256xf32> to vector<512x1x256xf32>
    %get3A_2 = arith.constant 0 : index
    %get3A_3 = arith.constant 0 : index
    %get3A_4 = vector.load %arg2[%get3A_2, %get3A_3] : memref<8x256xf32, #tpu.memory_space<vmem>>, vector<8x256xf32>
    %slice3A = vector.extract_strided_slice %get3A_4 {offsets = [0, 0], sizes = [5, 256], strides = [1, 1]} : vector<8x256xf32> to vector<5x256xf32>
    %broadcast_in_dim3A_5 = vector.shape_cast %slice3A : vector<5x256xf32> to vector<1x5x256xf32>
    %mul3A = vector.broadcast %broadcast_in_dim3A : vector<512x1x256xf32> to vector<512x5x256xf32>
    %mul3A_6 = vector.broadcast %broadcast_in_dim3A_5 : vector<1x5x256xf32> to vector<512x5x256xf32>
    %mul3A_7 = arith.mulf %mul3A, %mul3A_6 : vector<512x5x256xf32>
    %reshape3A = vector.shape_cast %mul3A_7 : vector<512x5x256xf32> to vector<2560x256xf32>
    %swap3A = arith.constant 0 : index
    %swap3A_8 = arith.constant 0 : index
    %swap3A_9 = vector.load %arg3[%swap3A, %swap3A_8] : memref<2560x256xf32, #tpu.memory_space<vmem>>, vector<2560x256xf32>
    tpu.vector_store %arg3[%swap3A, %swap3A_8], %reshape3A {strides = array<i32>} : memref<2560x256xf32, #tpu.memory_space<vmem>>, vector<2560x256xf32>,
    return
  }
  func.func @transform_0(%arg0: i32) -> (i32, i32) {
    %c0_i32 = arith.constant 0 : i32
    %c0_i32_0 = arith.constant 0 : i32
    return %arg0, %c0_i32 : i32, i32
  }
  func.func @transform_1(%arg0: i32) -> (i32, i32) {
    %c0_i32 = arith.constant 0 : i32
    %c0_i32_0 = arith.constant 0 : i32
    %c0_i32_1 = arith.constant 0 : i32
    return %c0_i32, %c0_i32_0 : i32, i32
  }
  func.func @transform_2(%arg0: i32) -> (i32, i32) {
    %c0_i32 = arith.constant 0 : i32
    %c0_i32_0 = arith.constant 0 : i32
    return %arg0, %c0_i32 : i32, i32
  }
}

module attributes {stable_mosaic.version = 14 : i64} {
  func.func @_stage3_body(%arg0: i32, %arg1: memref<1x2048x256xf32, #tpu.memory_space<vmem>>, %arg2: memref<3x256x128xf32, #tpu.memory_space<vmem>>, %arg3: memref<1x128xf32, #tpu.memory_space<vmem>>, %arg4: memref<128x1xf32, #tpu.memory_space<vmem>>, %arg5: memref<1x1xf32, #tpu.memory_space<vmem>>, %arg6: memref<1x2048x1xf32, #tpu.memory_space<vmem>>) attributes {dimension_semantics = [#tpu.dimension_semantics<arbitrary>], iteration_bounds = array<i64: 4>, scalar_prefetch = 0 : i64, scratch_operands = 0 : i64, tpu.core_type = #tpu.core_type<tc>, window_params = [{transform_indices = @transform_0, window_bounds = array<i64: 1, 2048, 256>}, {pipeline_mode = #tpu.pipeline_mode<synchronous>, transform_indices = @transform_1, window_bounds = array<i64: 3, 256, 128>}, {pipeline_mode = #tpu.pipeline_mode<synchronous>, transform_indices = @transform_2, window_bounds = array<i64: 1, 128>}, {pipeline_mode = #tpu.pipeline_mode<synchronous>, transform_indices = @transform_3, window_bounds = array<i64: 128, 1>}, {pipeline_mode = #tpu.pipeline_mode<synchronous>, transform_indices = @transform_4, window_bounds = array<i64: 1, 1>}, {transform_indices = @transform_5, window_bounds = array<i64: 1, 2048, 1>}]} {
    %get3A = arith.constant 0 : index
    %get3A_0 = arith.constant 0 : index
    %get3A_1 = arith.constant 0 : index
    %get3A_2 = vector.load %arg1[%get3A, %get3A_0, %get3A_1] : memref<1x2048x256xf32, #tpu.memory_space<vmem>>, vector<1x2048x256xf32>
    %get3A_3 = vector.shape_cast %get3A_2 : vector<1x2048x256xf32> to vector<2048x256xf32>
    %get3A_4 = arith.constant 0 : index
    %get3A_5 = arith.constant 0 : index
    %get3A_6 = arith.constant 0 : index
    %get3A_7 = vector.load %arg2[%get3A_4, %get3A_5, %get3A_6] : memref<3x256x128xf32, #tpu.memory_space<vmem>>, vector<1x256x128xf32>
    %get3A_8 = vector.shape_cast %get3A_7 : vector<1x256x128xf32> to vector<256x128xf32>
    %dot_general3A = arith.constant dense<0.000000e+00> : vector<2048x128xf32>
    %dot_general3A_9 = tpu.matmul %get3A_3, %get3A_8, %dot_general3A {dimension_numbers = #tpu.dot_dimension_numbers<[1], [0], [0], [1], [0, 0, 1, 1], [], []>, transpose_lhs_hint = false} : vector<2048x256xf32>, vector<256x128xf32>, vector<2048x128xf32> -> vector<2048x128xf32>
    %get3A_10 = arith.constant 1 : index
    %get3A_11 = arith.constant 0 : index
    %get3A_12 = arith.constant 0 : index
    %get3A_13 = vector.load %arg2[%get3A_10, %get3A_11, %get3A_12] : memref<3x256x128xf32, #tpu.memory_space<vmem>>, vector<1x256x128xf32>
    %get3A_14 = vector.shape_cast %get3A_13 : vector<1x256x128xf32> to vector<256x128xf32>
    %dot_general3A_15 = arith.constant dense<0.000000e+00> : vector<2048x128xf32>
    %dot_general3A_16 = tpu.matmul %get3A_3, %get3A_14, %dot_general3A_15 {dimension_numbers = #tpu.dot_dimension_numbers<[1], [0], [0], [1], [0, 0, 1, 1], [], []>, transpose_lhs_hint = false} : vector<2048x256xf32>, vector<256x128xf32>, vector<2048x128xf32> -> vector<2048x128xf32>
    %get3A_17 = arith.constant 2 : index
    %get3A_18 = arith.constant 0 : index
    %get3A_19 = arith.constant 0 : index
    %get3A_20 = vector.load %arg2[%get3A_17, %get3A_18, %get3A_19] : memref<3x256x128xf32, #tpu.memory_space<vmem>>, vector<1x256x128xf32>
    %get3A_21 = vector.shape_cast %get3A_20 : vector<1x256x128xf32> to vector<256x128xf32>
    %dot_general3A_22 = arith.constant dense<0.000000e+00> : vector<2048x128xf32>
    %dot_general3A_23 = tpu.matmul %get3A_3, %get3A_21, %dot_general3A_22 {dimension_numbers = #tpu.dot_dimension_numbers<[1], [0], [0], [1], [0, 0, 1, 1], [], []>, transpose_lhs_hint = false} : vector<2048x256xf32>, vector<256x128xf32>, vector<2048x128xf32> -> vector<2048x128xf32>
    %broadcast_in_dim3A = arith.constant 0.000000e+00 : f32
    %broadcast_in_dim3A_24 = vector.broadcast %broadcast_in_dim3A : f32 to vector<1x128xf32>
    %slice3A = vector.extract_strided_slice %dot_general3A_9 {offsets = [0, 0], sizes = [2047, 128], strides = [1, 1]} : vector<2048x128xf32> to vector<2047x128xf32>
    %concatenate3A = tpu.concatenate %broadcast_in_dim3A_24, %slice3A in 0 : vector<1x128xf32>, vector<2047x128xf32> -> vector<2048x128xf32>
    %add3A = arith.addf %dot_general3A_16, %concatenate3A : vector<2048x128xf32>
    %slice3A_25 = vector.extract_strided_slice %dot_general3A_23 {offsets = [1, 0], sizes = [2047, 128], strides = [1, 1]} : vector<2048x128xf32> to vector<2047x128xf32>
    %concatenate3A_26 = tpu.concatenate %slice3A_25, %broadcast_in_dim3A_24 in 0 : vector<2047x128xf32>, vector<1x128xf32> -> vector<2048x128xf32>
    %add3A_27 = arith.addf %add3A, %concatenate3A_26 : vector<2048x128xf32>
    %get3A_28 = arith.constant 0 : index
    %get3A_29 = arith.constant 0 : index
    %get3A_30 = vector.load %arg3[%get3A_28, %get3A_29] : memref<1x128xf32, #tpu.memory_space<vmem>>, vector<1x128xf32>
    %add3A_31 = vector.broadcast %get3A_30 : vector<1x128xf32> to vector<2048x128xf32>
    %add3A_32 = arith.addf %add3A_27, %add3A_31 : vector<2048x128xf32>
    %max3A = arith.constant 0.000000e+00 : f32
    %max3A_33 = vector.broadcast %max3A : f32 to vector<2048x128xf32>
    %max3A_34 = arith.maximumf %add3A_32, %max3A_33 : vector<2048x128xf32>
    %get3A_35 = arith.constant 0 : index
    %get3A_36 = arith.constant 0 : index
    %get3A_37 = vector.load %arg4[%get3A_35, %get3A_36] : memref<128x1xf32, #tpu.memory_space<vmem>>, vector<128x1xf32>
    %dot_general3A_38 = arith.constant dense<0.000000e+00> : vector<2048x1xf32>
    %dot_general3A_39 = tpu.matmul %max3A_34, %get3A_37, %dot_general3A_38 {dimension_numbers = #tpu.dot_dimension_numbers<[1], [0], [0], [1], [0, 0, 1, 1], [], []>, transpose_lhs_hint = false} : vector<2048x128xf32>, vector<128x1xf32>, vector<2048x1xf32> -> vector<2048x1xf32>
    %get3A_40 = arith.constant 0 : index
    %get3A_41 = arith.constant 0 : index
    %get3A_42 = vector.load %arg5[%get3A_40, %get3A_41] : memref<1x1xf32, #tpu.memory_space<vmem>>, vector<1x1xf32>
    %add3A_43 = vector.broadcast %get3A_42 : vector<1x1xf32> to vector<2048x1xf32>
    %add3A_44 = arith.addf %dot_general3A_39, %add3A_43 : vector<2048x1xf32>
    %swap3A = arith.constant 0 : index
    %swap3A_45 = arith.constant 0 : index
    %swap3A_46 = arith.constant 0 : index
    %swap3A_47 = vector.load %arg6[%swap3A, %swap3A_45, %swap3A_46] : memref<1x2048x1xf32, #tpu.memory_space<vmem>>, vector<1x2048x1xf32>
    %swap3A_48 = vector.shape_cast %swap3A_47 : vector<1x2048x1xf32> to vector<2048x1xf32>
    %swap3A_49 = vector.shape_cast %add3A_44 : vector<2048x1xf32> to vector<1x2048x1xf32>
    tpu.vector_store %arg6[%swap3A, %swap3A_45, %swap3A_46], %swap3A_49 {strides = array<i32>} : memref<1x2048x1xf32, #tpu.memory_space<vmem>>, vector<1x2048x1xf32>,
    return
  }
  func.func @transform_0(%arg0: i32) -> (i32, i32, i32) {
    %c0_i32 = arith.constant 0 : i32
    %c0_i32_0 = arith.constant 0 : i32
    %c0_i32_1 = arith.constant 0 : i32
    return %arg0, %c0_i32, %c0_i32_0 : i32, i32, i32
  }
  func.func @transform_1(%arg0: i32) -> (i32, i32, i32) {
    %c0_i32 = arith.constant 0 : i32
    %c0_i32_0 = arith.constant 0 : i32
    %c0_i32_1 = arith.constant 0 : i32
    %c0_i32_2 = arith.constant 0 : i32
    return %c0_i32, %c0_i32_0, %c0_i32_1 : i32, i32, i32
  }
  func.func @transform_2(%arg0: i32) -> (i32, i32) {
    %c0_i32 = arith.constant 0 : i32
    %c0_i32_0 = arith.constant 0 : i32
    %c0_i32_1 = arith.constant 0 : i32
    return %c0_i32, %c0_i32_0 : i32, i32
  }
  func.func @transform_3(%arg0: i32) -> (i32, i32) {
    %c0_i32 = arith.constant 0 : i32
    %c0_i32_0 = arith.constant 0 : i32
    %c0_i32_1 = arith.constant 0 : i32
    return %c0_i32, %c0_i32_0 : i32, i32
  }
  func.func @transform_4(%arg0: i32) -> (i32, i32) {
    %c0_i32 = arith.constant 0 : i32
    %c0_i32_0 = arith.constant 0 : i32
    %c0_i32_1 = arith.constant 0 : i32
    return %c0_i32, %c0_i32_0 : i32, i32
  }
  func.func @transform_5(%arg0: i32) -> (i32, i32, i32) {
    %c0_i32 = arith.constant 0 : i32
    %c0_i32_0 = arith.constant 0 : i32
    %c0_i32_1 = arith.constant 0 : i32
    return %arg0, %c0_i32, %c0_i32_0 : i32, i32, i32
  }
}

</mosaic_0001>

<sc_bundles>
// kernel: kernel.6.cloned.1.call-start
scs
__scs_entry_jumppad:
0x0: {  	(pc) =	sbr.rel $0x88, $3  }
0x1: {  	(tag) =	ssettag $0x0;
	lr =	simm.s32 $0x1  }
0x2: {  	[smem:$0x3F97] =	sst lr;
	_ =	strace $0xD0000000  }
0x3: {  	_ = 	snop  }
0x4: {  	_ = 	snop  }
0x5: {  	_ = 	snop  }
0x6: {  	_ = 	snop  }
0x7: {  	_ = 	snop  }
__scs_overlays_trampoline_lowered:
0x8: {  	[smem:$0x3FA6] =	sst s0  }
0x9: {  	[smem:$0x3FA7] =	sst s1  }
0xa: {  	[smem:$0x3FA8] =	sst s2  }
0xb: {  	[smem:$0x3FA9] =	sst s3  }
0xc: {  	[smem:$0x3FAA] =	sst s4  }
0xd: {  	[smem:$0x3FAB] =	sst s5  }
0xe: {  	[smem:$0x3FAC] =	sst s6  }
0xf: {  	[smem:$0x3FAD] =	sst s7  }
0x10: {  	[smem:$0x3FAE] =	sst s8  }
0x11: {  	[smem:$0x3FAF] =	sst s9;
	s0 =	simm.s32 @!p0 $0x0  }
0x12: {  	s1 =	sld [smem:$0x3F95];
	s0 =	simm.s32 @p0 $0x1  }
0x13: {  	[smem:$0x3FB0] =	sst s0;
	s0 =	simm.s32 @!p1 $0x0  }
0x14: {  	s2 =	sld [smem:$0x3F94];
	s0 =	simm.s32 @p1 $0x1  }
0x15: {  	[smem:$0x3FB1] =	sst s0;
	s0 =	simm.s32 @!p2 $0x0  }
0x16: {  	s3 =	sld [smem:$0x3FDB];
	s0 =	simm.s32 @p2 $0x1  }
0x17: {  	s4 =	simm.s32 $0x1BF5;
	[smem:$0x3FB3] =	sst s0  }
0x18: {  	s0 =	sld [smem:$0x3F96];
	_ =	swait.ge [sflag:s4], $0x0  }
0x19: {  	s7 =	sld [smem:$0x3F97]  }
0x1a: {  	s8 =	sadd.s32 $0xFFFFE003, lr  }
0x1b: {  	s9 =	sadd.s32 $0xFFFFFEF7, lr;
	s5 =	simm.s32 $0xFFFFFFFF;
	p2 =	slt.u32 s8, $0xFFFFF086  }
0x1c: {  	p1 =	slt.u32 s9, $0xF7A;
	s5 =	simm.s32 @!p2 $0x0  }
0x1d: {  	s5 =	simm.s32 @p1 $0x1;
	p0 =	seq.s32 s7, s2  }
0x1e: {  	s7 =	smul.u32 @!p0 $0xF7A, s2;
	p2 =	seq.s32 @!p0 s5, $0x0  }
0x1f: {  	s9 =	smul.u32 $0xF7A, s1;
	s8 =	simm.s32 @!p0 $0x1BF5;
	p2 =	por !p2, p0  }
0x20: {  	[sflag:s8] =	ssyncset.s32 @!p0 $0xFFFFF086;
	s6 =	sadd.s32 @!p0 s3, s7;
	s7 =	simm.s32 @!p0 $0x108  }
0x21: {  	s3 =	sadd.s32 s3, s9;
	s6 =	sadd.s32 @!p0 $0x88, s6;
	s7 =	simm.s32 @p2 $0x1082  }
0x22: {  	[simem:s7], [sflag:s8] =	dma.local @!p0 [hbm:s6], $0xF7A  }
0x23: {  	s9 =	sor.u32 $0xD0000000, s2;
	s6 =	simm.s32 $0x108;
	_ =	swait.ge @!p0 [sflag:s8], $0x0  }
0x24: {  	s3 =	sadd.s32 $0x88, s3;
	s6 =	simm.s32 @!p1 $0x1082;
	[sflag:s4] =	ssyncset.s32 $0xFFFFF086  }
0x25: {  	[simem:s6], [sflag:s4] =	dma.local [hbm:s3], $0xF7A  }
0x26: {  	[smem:$0x3F97] =	sst s1;
	(tag) =	ssettag s2;
	_ =	strace s9  }
0x27: {  	s1 =	sld [smem:$0x3FA7]  }
0x28: {  	s2 =	sld [smem:$0x3FA8]  }
0x29: {  	s4 =	sld [smem:$0x3FAA]  }
0x2a: {  	p0 =	seq.s32 s5, $0x0;
	s5 =	sld [smem:$0x3FAB]  }
0x2b: {  	s6 =	sld [smem:$0x3FAC]  }
0x2c: {  	s7 =	sld [smem:$0x3FAD]  }
0x2d: {  	s3 =	simm.s32 $0x108;
	s8 =	sld [smem:$0x3FAE]  }
0x2e: {  	s3 =	simm.s32 @!p0 $0x1082;
	s9 =	sld [smem:$0x3FAF]  }
0x2f: {  	lr =	sadd.s32 s0, s3;
	s0 =	sld [smem:$0x3FA6]  }
0x30: {  	s3 =	sld [smem:$0x3FA9]  }
0x31: {  	[smem:$0x3FB2] =	sst s10  }
0x32: {  	s10 =	sld [smem:$0x3FB0];
	_ =	sdelay $0x3  }
0x33: {  	p0 =	seq.s32 s10, $0x1;
	s10 =	sld [smem:$0x3FB2];
	_ =	sdelay $0x3  }
0x34: {  	[smem:$0x3FB2] =	sst s10  }
0x35: {  	s10 =	sld [smem:$0x3FB1];
	_ =	sdelay $0x3  }
0x36: {  	p1 =	seq.s32 s10, $0x1;
	s10 =	sld [smem:$0x3FB2];
	_ =	sdelay $0x3  }
0x37: {  	[smem:$0x3FB2] =	sst s10  }
0x38: {  	s10 =	sld [smem:$0x3FB3]  }
0x39: {  	_ = 	snop;
	(pc) =	sbr.ind lr, $3  }
0x3a: {  	_ = 	snop  }
0x3b: {  	_ = 	snop  }
0x3c: {  	p2 =	seq.s32 s10, $0x1;
	s10 =	sld [smem:$0x3FB2]  }
0x3d: {  	_ =	shalt  }
0x3e: {  	_ =	shalt  }
0x3f: {  	_ =	shalt  }
0x40: {  	_ =	shalt  }
0x41: {  	_ =	shalt  }
0x42: {  	_ =	shalt  }
0x43: {  	_ =	shalt  }
0x44: {  	_ =	shalt  }
0x45: {  	_ =	shalt  }
0x46: {  	_ =	shalt  }
0x47: {  	_ =	shalt  }
0x48: {  	_ =	shalt  }
0x49: {  	_ =	shalt  }
0x4a: {  	_ =	shalt  }
0x4b: {  	_ =	shalt  }
0x4c: {  	_ =	shalt  }
0x4d: {  	_ =	shalt  }
0x4e: {  	_ =	shalt  }
0x4f: {  	_ =	shalt  }
0x50: {  	_ =	shalt  }
0x51: {  	_ =	shalt  }
0x52: {  	_ =	shalt  }
0x53: {  	_ =	shalt  }
0x54: {  	_ =	shalt  }
0x55: {  	_ =	shalt  }
0x56: {  	_ =	shalt  }
0x57: {  	_ =	shalt  }
0x58: {  	_ =	shalt  }
0x59: {  	_ =	shalt  }
0x5a: {  	_ =	shalt  }
0x5b: {  	_ =	shalt  }
0x5c: {  	_ =	shalt  }
0x5d: {  	_ =	shalt  }
0x5e: {  	_ =	shalt  }
0x5f: {  	_ =	shalt  }
0x60: {  	_ =	shalt  }
0x61: {  	_ =	shalt  }
0x62: {  	_ =	shalt  }
0x63: {  	_ =	shalt  }
0x64: {  	_ =	shalt  }
0x65: {  	_ =	shalt  }
0x66: {  	_ =	shalt  }
0x67: {  	_ =	shalt  }
0x68: {  	_ =	shalt  }
0x69: {  	_ =	shalt  }
0x6a: {  	_ =	shalt  }
0x6b: {  	_ =	shalt  }
0x6c: {  	_ =	shalt  }
0x6d: {  	_ =	shalt  }
0x6e: {  	_ =	shalt  }
0x6f: {  	_ =	shalt  }
0x70: {  	_ =	shalt  }
0x71: {  	_ =	shalt  }
0x72: {  	_ =	shalt  }
0x73: {  	_ =	shalt  }
0x74: {  	_ =	shalt  }
0x75: {  	_ =	shalt  }
0x76: {  	_ =	shalt  }
0x77: {  	_ =	shalt  }
0x78: {  	_ =	shalt  }
0x79: {  	_ =	shalt  }
0x7a: {  	_ =	shalt  }
0x7b: {  	_ =	shalt  }
0x7c: {  	_ =	shalt  }
0x7d: {  	_ =	shalt  }
0x7e: {  	_ =	shalt  }
0x7f: {  	_ =	shalt  }
0x80: {  	_ =	shalt  }
0x81: {  	_ =	shalt  }
0x82: {  	_ =	shalt  }
0x83: {  	_ =	shalt  }
0x84: {  	_ =	shalt  }
0x85: {  	_ =	shalt  }
0x86: {  	_ =	shalt  }
0x87: {  	_ =	shalt  }
.Lfunc_end0:
.L_simem_size_0:
called_computation_lowered:
.L_overlay_start_0:
0x88: {  	s2 =	sld [smem:$0x3FD9]  }
0x89: {  	s3 =	sld [smem:$0x3FFE];
	_ =	sdelay $0x1  }
0x8a: {  	s1 =	srdreg.scid  }
0x8b: {  	s0 =	sand.u32 $0x1, s1  }
0x8c: {  	s14 =	sshll.u32 s0, $0xA;
	s2 =	sadd.s32 s3, s2  }
0x8d: {  	s2 =	sadd.s32 s2, s14  }
0x8e: {  	[smem:$0x3FBE] =	sst s2  }
0x8f: {  	_ = 	snop  }
0x90: {  	s2 =	sld [smem:$0x3FD0];
	_ =	sdelay $0x2  }
0x91: {  	s15 =	simm.s32 $0xA;
	s4 =	simm.s32 $0x10  }
0x92: {  	[smem:s4], [sflag:s15] =	dma.local [hbm:s2], $0x1  }
0x93: {  	_ =	swait.eq [sflag:s15], $0x1  }
0x94: {  	[sflag:s15] =	ssyncset.done $0x0  }
0x95: {  	[sflag:s15] =	ssyncadd.s32 $0xFFFFFFFF  }
0x96: {  	s16 =	sld [smem:$0x10];
	(tm) =	ssettm $0x1  }
0x97: {  	s17 =	sld [smem:$0x3FFB];
	_ =	sdelay $0x3  }
0x98: {  	_ =	strace s17  }
0x99: {  	s3 =	sld [smem:$0x3FFC];
	_ =	sdelay $0x3  }
0x9a: {  	_ =	strace s3  }
0x9b: {  	s3 =	sld [smem:$0x3FFD];
	_ =	sdelay $0x3  }
0x9c: {  	_ =	strace s3  }
0x9d: {  	_ =	strace $0x8FFFFFFF  }
0x9e: {  	s18 =	sld [smem:$0x3FDB];
	_ =	sdelay $0x1  }
0x9f: {  	s19 =	simm.s32 $_scs_section_size  }
0xa0: {  	s5 =	simm.s32 $_size__tile_overlayer_lowered;
	s6 =	simm.s32 $_tile_overlayer_lowered  }
0xa1: {  	s22 =	simm.s32 $0x1BFF;
	s21 =	sshll.u32 s6, $0x1;
	s3 =	sadd.s32 s19, s18  }
0xa2: {  	s7 =	simm.s32 $0x0;
	s20 =	sshll.u32 s5, $0x1;
	s5 =	sadd.s32 s21, s3  }
0xa3: {  	[timem:s7], [sflag:s22] =	dma.local [hbm:s5], s20  }
0xa4: {  	_ =	swait.ge [sflag:s22], s20  }
0xa5: {  	s4 =	ssub.s32 $0x0, s20;
	[sflag:s22] =	ssyncset.done $0x0  }
0xa6: {  	[sflag:s22] =	ssyncadd.s32 s4;
	_ =	sdelay $0x1  }
0xa7: {  	s23 =	simm.s32 $0x1B8B  }
0xa8: {  	_ =	swait.ge [sflag:s23], $0x1  }
0xa9: {  	[sflag:s23] =	ssyncset.done $0x0  }
0xaa: {  	s25 =	simm.s32 $0x1B8E;
	s24 =	sld [smem:$0x3FFE];
	[sflag:s23] =	ssyncadd.s32 $0xFFFFFFFF  }
0xab: {  	s26 =	simm.s32 $execute0_lowered;
	[smem:$0x3FD2] =	sst s25  }
0xac: {  	s5 =	sshll.u32 s26, $0x1;
	_ =	strace $0x80000046;
	[dreg:$0x1] =	wrdreg $0xFFFFFFFF  }
0xad: {  	s28 =	simm.s32 $_size_execute0_lowered;
	s3 =	sadd.s32 s3, s5;
	[dreg:$0x0] =	wrdreg $0x0  }
0xae: {  	s5 =	sshll.u32 s28, $0x1;
	[dreg:$0x2] =	wrdreg s3  }
0xaf: {  	[dreg:$0x3] =	wrdreg s5  }
0xb0: {  	[dreg:$0x4] =	wrdreg $0xC0  }
0xb1: {  	_ =	task [dreg:s7], $0x5FFFF  }
0xb2: {  	[dreg:$0x1] =	wrdreg $0xFFFFFFFF  }
0xb3: {  	[dreg:$0x0] =	wrdreg $0x60  }
0xb4: {  	[dreg:$0x2] =	wrdreg s24  }
0xb5: {  	[dreg:$0x3] =	wrdreg s16  }
0xb6: {  	[dreg:$0x4] =	wrdreg $0x9  }
0xb7: {  	_ =	task.clear_ibuf [dreg:s7], $0x5FFFF;
	_ =	strace $0x90000046  }
0xb8: {  	s29 =	simm.s32 $0x9;
	_ =	strace $0x80000048  }
0xb9: {  	_ =	swait.ge [sflag:s29], $0x1  }
0xba: {  	[sflag:s29] =	ssyncadd.s32 $0xFFFFFFFF  }
0xbb: {  	_ =	strace $0x90000048  }
0xbc: {  	_ =	sfence  }
0xbd: {  	s30 =	sld [smem:$0x0];
	_ =	sdelay $0x2  }
0xbe: {  	s31 =	sshll.u32 s1, $0xD;
	s1 =	sshrl.u32 s1, $0x2  }
0xbf: {  	s3 =	sand.u32 $0x4000, s31;
	s1 =	sadd.s32 s1, s30  }
0xc0: {  	s0 =	sor.u32 s3, s0;
	s1 =	sshll.u32 s1, $0x11  }
0xc1: {  	s0 =	sor.u32 s1, s0  }
0xc2: {  	s0 =	sadd.s32 $0x8F2B, s0  }
0xc3: {  	[sflag:s0] =	ssyncadd.remote.s32 $0x1  }
0xc4: {  	_ =	sfence.sel $0xFFFF  }
0xc5: {  	[dreg:$0x0] =	wrdreg $0xFFFFFFFF;
	(pc) =	sbr.abs _section_cstart, $3  }
0xc6: {  	[dreg:$0x1] =	wrdreg $0xFFFFFFFF  }
0xc7: {  	_ =	task.clear_ibuf [dreg:s7], $0x2FFFF;
	_ =	strace $0x9FFFFFFF  }
0xc8: {  	(tm) =	ssettm $0x7FFFFFFF  }
0xc9: {  	_ =	shalt  }
tec
execute0_lowered:
.L_overlay_start_1:
0x0: {  	(tag) =	ssettag $0x1  }
0x1: {  	s0 =	rddreg [dreg:$0x0]  }
0x2: {  	s1 =	rddreg [dreg:$0x1]  }
0x3: {  	s3 =	srdreg.scid;
	s4 =	stileid.u32  }
0x4: {  	s2 =	simm.s32 $0x0;
	s9 =	simm.s32 $0xA00;
	s29 =	simm.s32 $0xA400  }
0x5: {  	s30 =	simm.s32 $0xAC00;
	s3 =	sand.u32 $0x1, s3;
	s4 =	sshll.u32 s4, $0x1  }
0x6: {  	s31 =	simm.s32 $0x1;
	[smem:$0x7FF] =	sst s2;
	s4 =	sor.u32 s3, s4  }
0x7: {  	_ =	strace $0x80000047;
	s6 =	ssub.s32 $0x2, s3;
	s5 =	smul.u32 $0x140, s4  }
0x8: {  	s3 =	sadd.s32 $0x4A00, s0;
	s4 =	sshll.u32 s4, $0xD;
	s7 =	sshrl.u32 s6, $0x1  }
.Ltmp0:
0x9: {  	s25 =	ssub.s32 s6, s7;
	s8 =	sadd.s32 s5, s0;
	(pc) =	sbr.rel .LBB2_1-.Ltmp0, $4  }
0xa: {  	s0 =	sadd.s32 s4, s0;
	s1 =	sadd.s32 s1, s5;
	s28 =	smax.u32 s25, $0x1  }
0xb: {  	v2 =	vlaneseq.u32;
	s5 =	simm.s32 $0x0;
	[dreg:$0x5] =	wrdreg s1;
	s26 =	sadd.s32 $0x2200, s8  }
0xc: {  	vm0 =	vmmov $0xffff;
	v1 =	vshrl.u32 v2, $0x3;
	s6 =	sadd.s32 $0x144A00, s0;
	[dreg:$0x7] =	wrdreg s28;
	s8 =	simm.s32 $0x3  }
0xd: {  	v0 =	vand.u32 $0x7, v2;
	v2 =	vor.u32 $0x8, v2;
	v1 =	vmul.u32 $0x8, v1;
	s0 =	simm.s32 $0xB400;
	s1 =	simm.s32 $0x2;
	[dreg:$0x6] =	wrdreg s26  }
.LBB2_14:
0xe: {  	s5 =	rddreg [dreg:$0x8]  }
0xf: {  	s4 =	rddreg [dreg:$0x7];
	s5 =	sadd.s32 $0x1, s5  }
0x10: {  	p0 =	sne.s32 s5, s4  }
.Ltmp1:
0x11: {  	_ = 	snop;
	(pc) =	sbr.rel @!p0 .LBB2_15-.Ltmp1, $1  }
0x12: {  	_ =	sdelay $0x3  }
.LBB2_1:
0x13: {  	[dreg:$0x8] =	wrdreg s5  }
0x14: {  	s4 =	rddreg [dreg:$0x5]  }
0x15: {  	[tilespmem:s2], [sflag:$0x3] =	stream.linear.gather [hbm4b:s4+s2], $0xA00, $0x38;
	[tilespmem:$0xBC00] =	vst v63  }
0x16: {  	_ =	swait.ge [sflag:s8], $0xA00  }
0x17: {  	[sflag:s8] =	ssyncset.done $0x0  }
0x18: {  	s7 =	rddreg [dreg:$0x6];
	[sflag:s8] =	ssyncadd.s32 $0xFFFFF600  }
0x19: {  	[tilespmem:s9], [sflag:$0x3] =	stream.linear.gather [hbm4b:s7+s2], $0xA00, $0x38;
	[tilespmem:$0xBC00] =	vst v63  }
0x1a: {  	_ =	swait.ge [sflag:s8], $0xA00  }
0x1b: {  	[sflag:s8] =	ssyncset.done $0x0  }
0x1c: {  	[sflag:s8] =	ssyncadd.s32 $0xFFFFF600  }
0x1d: {  	v3 =	vld [tilespmem:$0x0];
	_ =	sdelay $0x4  }
0x1e: {  	v4 =	vshll.u32 v3, $0x1  }
0x1f: {  	v3 =	vand.u32 $0x7, v3;
	v4 =	vand.u32 $0xFFFFFFF0, v4  }
0x20: {  	v3 =	vor.u32 v3, v4  }
0x21: {  	v4 =	vperm.xlane v3, v0;
	_ =	sdelay $0x1  }
0x22: {  	v3 =	vperm.xlane v3, v2;
	v4 =	vadd.s32 v1, v4;
	_ =	sdelay $0x1  }
0x23: {  	v3 =	vadd.s32 v1, v3;
	_ =	sdelay $0x1  }
0x24: {  	s10 =	simm.s32 $0x1400  }
0x25: {  	[tilespmem:s10], [sflag:$0x1] =	stream.indirect_vreg.gather [hbm4b:s3+s2], $0x80, v4, vm0, $0xb8;
	[tilespmem:$0xBC00] =	vst v63  }
0x26: {  	s11 =	simm.s32 $0x1C00  }
0x27: {  	[tilespmem:s11], [sflag:$0x1] =	stream.indirect_vreg.gather [hbm4b:s3+s2], $0x80, v3, vm0, $0xb8;
	[tilespmem:$0xBC00] =	vst v63  }
0x28: {  	v3 =	vld [tilespmem:$0x10];
	_ =	sdelay $0x4  }
0x29: {  	v55 =	vshll.u32 v3, $0x1  }
0x2a: {  	v3 =	vand.u32 $0x7, v3;
	v4 =	vand.u32 $0xFFFFFFF0, v55  }
0x2b: {  	v3 =	vor.u32 v3, v4  }
0x2c: {  	v4 =	vperm.xlane v3, v0;
	_ =	sdelay $0x1  }
0x2d: {  	v3 =	vperm.xlane v3, v2;
	v4 =	vadd.s32 v1, v4;
	_ =	sdelay $0x1  }
0x2e: {  	v3 =	vadd.s32 v1, v3;
	_ =	sdelay $0x1  }
0x2f: {  	s12 =	simm.s32 $0x2400  }
0x30: {  	[tilespmem:s12], [sflag:$0x1] =	stream.indirect_vreg.gather [hbm4b:s3+s2], $0x80, v4, vm0, $0xb8;
	[tilespmem:$0xBC00] =	vst v63  }
0x31: {  	s13 =	simm.s32 $0x2C00  }
0x32: {  	[tilespmem:s13], [sflag:$0x1] =	stream.indirect_vreg.gather [hbm4b:s3+s2], $0x80, v3, vm0, $0xb8;
	[tilespmem:$0xBC00] =	vst v63  }
0x33: {  	v3 =	vld [tilespmem:$0x20];
	_ =	sdelay $0x4  }
0x34: {  	v56 =	vshll.u32 v3, $0x1  }
0x35: {  	v3 =	vand.u32 $0x7, v3;
	v4 =	vand.u32 $0xFFFFFFF0, v56  }
0x36: {  	v3 =	vor.u32 v3, v4  }
0x37: {  	v4 =	vperm.xlane v3, v0;
	_ =	sdelay $0x1  }
0x38: {  	v3 =	vperm.xlane v3, v2;
	v4 =	vadd.s32 v1, v4;
	_ =	sdelay $0x1  }
0x39: {  	v3 =	vadd.s32 v1, v3;
	_ =	sdelay $0x1  }
0x3a: {  	s14 =	simm.s32 $0x3400  }
0x3b: {  	[tilespmem:s14], [sflag:$0x1] =	stream.indirect_vreg.gather [hbm4b:s3+s2], $0x80, v4, vm0, $0xb8;
	[tilespmem:$0xBC00] =	vst v63  }
0x3c: {  	s15 =	simm.s32 $0x3C00  }
0x3d: {  	[tilespmem:s15], [sflag:$0x1] =	stream.indirect_vreg.gather [hbm4b:s3+s2], $0x80, v3, vm0, $0xb8;
	[tilespmem:$0xBC00] =	vst v63  }
0x3e: {  	v3 =	vld [tilespmem:$0x30];
	_ =	sdelay $0x4  }
0x3f: {  	v57 =	vshll.u32 v3, $0x1  }
0x40: {  	v3 =	vand.u32 $0x7, v3;
	v4 =	vand.u32 $0xFFFFFFF0, v57  }
0x41: {  	v3 =	vor.u32 v3, v4  }
0x42: {  	v4 =	vperm.xlane v3, v0;
	_ =	sdelay $0x1  }
0x43: {  	v3 =	vperm.xlane v3, v2;
	v4 =	vadd.s32 v1, v4;
	_ =	sdelay $0x1  }
0x44: {  	v3 =	vadd.s32 v1, v3;
	_ =	sdelay $0x1  }
0x45: {  	s16 =	simm.s32 $0x4400  }
0x46: {  	[tilespmem:s16], [sflag:$0x1] =	stream.indirect_vreg.gather [hbm4b:s3+s2], $0x80, v4, vm0, $0xb8;
	[tilespmem:$0xBC00] =	vst v63  }
0x47: {  	s17 =	simm.s32 $0x4C00  }
0x48: {  	[tilespmem:s17], [sflag:$0x1] =	stream.indirect_vreg.gather [hbm4b:s3+s2], $0x80, v3, vm0, $0xb8;
	[tilespmem:$0xBC00] =	vst v63  }
0x49: {  	v3 =	vld [tilespmem:$0x40];
	_ =	sdelay $0x4  }
0x4a: {  	v58 =	vshll.u32 v3, $0x1  }
0x4b: {  	v3 =	vand.u32 $0x7, v3;
	v4 =	vand.u32 $0xFFFFFFF0, v58  }
0x4c: {  	v3 =	vor.u32 v3, v4  }
0x4d: {  	v4 =	vperm.xlane v3, v0;
	_ =	sdelay $0x1  }
0x4e: {  	v3 =	vperm.xlane v3, v2;
	v4 =	vadd.s32 v1, v4;
	_ =	sdelay $0x1  }
0x4f: {  	v3 =	vadd.s32 v1, v3;
	_ =	sdelay $0x1  }
0x50: {  	s18 =	simm.s32 $0x5400  }
0x51: {  	[tilespmem:s18], [sflag:$0x1] =	stream.indirect_vreg.gather [hbm4b:s3+s2], $0x80, v4, vm0, $0xb8;
	[tilespmem:$0xBC00] =	vst v63  }
0x52: {  	s19 =	simm.s32 $0x5C00  }
0x53: {  	[tilespmem:s19], [sflag:$0x1] =	stream.indirect_vreg.gather [hbm4b:s3+s2], $0x80, v3, vm0, $0xb8;
	[tilespmem:$0xBC00] =	vst v63  }
0x54: {  	v3 =	vld [tilespmem:$0x50];
	_ =	sdelay $0x4  }
0x55: {  	v59 =	vshll.u32 v3, $0x1  }
0x56: {  	v3 =	vand.u32 $0x7, v3;
	v4 =	vand.u32 $0xFFFFFFF0, v59  }
0x57: {  	v3 =	vor.u32 v3, v4  }
0x58: {  	v4 =	vperm.xlane v3, v0;
	_ =	sdelay $0x1  }
0x59: {  	v3 =	vperm.xlane v3, v2;
	v4 =	vadd.s32 v1, v4;
	_ =	sdelay $0x1  }
0x5a: {  	v3 =	vadd.s32 v1, v3;
	_ =	sdelay $0x1  }
0x5b: {  	s20 =	simm.s32 $0x6400  }
0x5c: {  	[tilespmem:s20], [sflag:$0x2] =	stream.indirect_vreg.gather [hbm4b:s3+s2], $0x80, v4, vm0, $0xb8;
	[tilespmem:$0xBC00] =	vst v63  }
0x5d: {  	s21 =	simm.s32 $0x6C00  }
0x5e: {  	[tilespmem:s21], [sflag:$0x2] =	stream.indirect_vreg.gather [hbm4b:s3+s2], $0x80, v3, vm0, $0xb8;
	[tilespmem:$0xBC00] =	vst v63  }
0x5f: {  	v3 =	vld [tilespmem:$0x60];
	_ =	sdelay $0x4  }
0x60: {  	v60 =	vshll.u32 v3, $0x1  }
0x61: {  	v3 =	vand.u32 $0x7, v3;
	v4 =	vand.u32 $0xFFFFFFF0, v60  }
0x62: {  	v3 =	vor.u32 v3, v4  }
0x63: {  	v4 =	vperm.xlane v3, v0;
	_ =	sdelay $0x1  }
0x64: {  	v3 =	vperm.xlane v3, v2;
	v4 =	vadd.s32 v1, v4;
	_ =	sdelay $0x1  }
0x65: {  	v3 =	vadd.s32 v1, v3;
	_ =	sdelay $0x1  }
0x66: {  	s22 =	simm.s32 $0x7400  }
0x67: {  	[tilespmem:s22], [sflag:$0x2] =	stream.indirect_vreg.gather [hbm4b:s3+s2], $0x80, v4, vm0, $0xb8;
	[tilespmem:$0xBC00] =	vst v63  }
0x68: {  	s23 =	simm.s32 $0x7C00  }
0x69: {  	[tilespmem:s23], [sflag:$0x2] =	stream.indirect_vreg.gather [hbm4b:s3+s2], $0x80, v3, vm0, $0xb8;
	[tilespmem:$0xBC00] =	vst v63  }
0x6a: {  	v3 =	vld [tilespmem:$0x70];
	_ =	sdelay $0x4  }
0x6b: {  	v61 =	vshll.u32 v3, $0x1  }
0x6c: {  	v3 =	vand.u32 $0x7, v3;
	v4 =	vand.u32 $0xFFFFFFF0, v61  }
0x6d: {  	v3 =	vor.u32 v3, v4  }
0x6e: {  	v4 =	vperm.xlane v3, v0;
	_ =	sdelay $0x1  }
0x6f: {  	v3 =	vperm.xlane v3, v2;
	v4 =	vadd.s32 v1, v4;
	_ =	sdelay $0x1  }
0x70: {  	v3 =	vadd.s32 v1, v3;
	_ =	sdelay $0x1  }
0x71: {  	s24 =	simm.s32 $0x8400  }
0x72: {  	[tilespmem:s24], [sflag:$0x2] =	stream.indirect_vreg.gather [hbm4b:s3+s2], $0x80, v4, vm0, $0xb8;
	[tilespmem:$0xBC00] =	vst v63  }
0x73: {  	s25 =	simm.s32 $0x8C00  }
0x74: {  	[tilespmem:s25], [sflag:$0x2] =	stream.indirect_vreg.gather [hbm4b:s3+s2], $0x80, v3, vm0, $0xb8;
	[tilespmem:$0xBC00] =	vst v63  }
0x75: {  	v3 =	vld [tilespmem:$0x80];
	_ =	sdelay $0x4  }
0x76: {  	v62 =	vshll.u32 v3, $0x1  }
0x77: {  	v3 =	vand.u32 $0x7, v3;
	v4 =	vand.u32 $0xFFFFFFF0, v62  }
0x78: {  	v3 =	vor.u32 v3, v4  }
0x79: {  	v4 =	vperm.xlane v3, v0;
	_ =	sdelay $0x1  }
0x7a: {  	v3 =	vperm.xlane v3, v2;
	v4 =	vadd.s32 v1, v4;
	_ =	sdelay $0x1  }
0x7b: {  	v3 =	vadd.s32 v1, v3;
	_ =	sdelay $0x1  }
0x7c: {  	s26 =	simm.s32 $0x9400  }
0x7d: {  	[tilespmem:s26], [sflag:$0x2] =	stream.indirect_vreg.gather [hbm4b:s3+s2], $0x80, v4, vm0, $0xb8;
	[tilespmem:$0xBC00] =	vst v63  }
0x7e: {  	s28 =	simm.s32 $0x9C00  }
0x7f: {  	[tilespmem:s28], [sflag:$0x2] =	stream.indirect_vreg.gather [hbm4b:s3+s2], $0x80, v3, vm0, $0xb8;
	[tilespmem:$0xBC00] =	vst v63  }
0x80: {  	v3 =	vld [tilespmem:$0x90];
	_ =	sdelay $0x4  }
0x81: {  	v63 =	vshll.u32 v3, $0x1  }
0x82: {  	v3 =	vand.u32 $0x7, v3;
	v4 =	vand.u32 $0xFFFFFFF0, v63  }
0x83: {  	v3 =	vor.u32 v3, v4  }
0x84: {  	v4 =	vperm.xlane v3, v0;
	_ =	sdelay $0x1  }
0x85: {  	v3 =	vperm.xlane v3, v2;
	v4 =	vadd.s32 v1, v4;
	_ =	sdelay $0x1  }
0x86: {  	v3 =	vadd.s32 v1, v3;
	_ =	sdelay $0x2  }
0x87: {  	[tilespmem:s29], [sflag:$0x2] =	stream.indirect_vreg.gather [hbm4b:s3+s2], $0x80, v4, vm0, $0xb8;
	[tilespmem:$0xBC00] =	vst v63  }
0x88: {  	s5 =	simm.s32 $0x0  }
0x89: {  	[tilespmem:s30], [sflag:$0x2] =	stream.indirect_vreg.gather [hbm4b:s3+s2], $0x80, v3, vm0, $0xb8;
	[tilespmem:$0xBC00] =	vst v63  }
.LBB2_2:
0x8a: {  	_ =	swait.ge [sflag:s31], $0x5000  }
0x8b: {  	s7 =	sshll.u32 s5, $0x4;
	[sflag:s31] =	ssyncset.done $0x0  }
0x8c: {  	s4 =	simm.s32 $0x0;
	s10 =	simm.s32 $0x0;
	[sflag:s31] =	ssyncadd.s32 $0xFFFFB000  }
.LBB2_3:
0x8d: {  	s20 =	smul.u32 $0xA, s10  }
0x8e: {  	s11 =	sadd.s32 s7, s10;
	s28 =	smul.u32 $0xA00, s10  }
0x8f: {  	s14 =	sshll.u32 s10, $0x8;
	s18 =	smul.u32 $0xA, s11  }
0x90: {  	s14 =	sand.u32 $0x300, s14;
	s11 =	sand.u32 $0x7800, s28  }
0x91: {  	s21 =	sadd.s32 $0x2, s20;
	s26 =	sadd.s32 $0x3, s20;
	s12 =	sor.u32 $0x1, s18  }
0x92: {  	s13 =	sadd.s32 $0x2, s18;
	s15 =	sadd.s32 $0x3, s18;
	s16 =	sadd.s32 $0x4, s18  }
0x93: {  	s22 =	sadd.s32 $0x5, s18;
	s23 =	sadd.s32 $0x6, s18;
	s17 =	sadd.s32 $0x7, s18  }
0x94: {  	s19 =	sadd.s32 $0x8, s18;
	s24 =	sshll.u32 s21, $0x8;
	s25 =	sshll.u32 s21, $0x7  }
0x95: {  	s21 =	sor.u32 s14, s11;
	s28 =	sshll.u32 s26, $0x8;
	s14 =	sand.u32 $0xF800, s24  }
0x96: {  	v3 =	vmov s18;
	s24 =	sand.u32 $0x300, s25;
	s25 =	sadd.s32 $0x1400, s21;
	v4 =	vmov s12;
	s12 =	sand.u32 $0xF800, s28  }
0x97: {  	v3 =	vbroadcast v3, $0x0;
	s11 =	sor.u32 s24, s14;
	[dreg:$0x3] =	wrdreg s25;
	s25 =	sadd.s32 $0x4, s20  }
0x98: {  	s14 =	sshll.u32 s26, $0x7;
	s11 =	sadd.s32 $0x1400, s11;
	s26 =	sshll.u32 s25, $0x8  }
0x99: {  	v5 =	vmov s13;
	s24 =	sshll.u32 s25, $0x7;
	s28 =	rddreg [dreg:$0x3];
	s14 =	sand.u32 $0x380, s14  }
0x9a: {  	v5 =	vbroadcast v5, $0x0;
	s13 =	sand.u32 $0xF800, s26;
	s24 =	sand.u32 $0x300, s24;
	s12 =	sor.u32 s14, s12  }
0x9b: {  	s26 =	sadd.s32 $0x5, s20;
	s24 =	sor.u32 s24, s13;
	s13 =	sand.u32 $0x400, s4  }
0x9c: {  	v7 =	vmov s16;
	s14 =	sand.u32 $0x70, s4;
	s16 =	sshll.u32 s26, $0x8;
	s25 =	sadd.s32 s13, s28;
	v4 =	vld.idx.msk [tilespmem:v4+s9+$0x0], $0xffff  }
0x9d: {  	v6 =	vmov s15;
	s26 =	sshll.u32 s26, $0x7;
	s12 =	sadd.s32 $0x1400, s12;
	v3 =	vld.idx.msk [tilespmem:v3+s9+$0x0], $0xffff;
	s25 =	sadd.s32 s14, s25  }
0x9e: {  	v7 =	vbroadcast v7, $0x0;
	s28 =	sand.u32 $0xF800, s16;
	s16 =	sand.u32 $0x380, s26;
	s15 =	sadd.s32 $0x1400, s24;
	v8 =	vld [tilespmem:s25+$0x0]  }
0x9f: {  	s26 =	sadd.s32 s13, s11;
	s16 =	sor.u32 s16, s28;
	s28 =	sadd.s32 $0x6, s20;
	v9 =	vld [tilespmem:s25+$0x80]  }
0xa0: {  	v11 =	vmov s23;
	s24 =	sadd.s32 s14, s26;
	v5 =	vld.idx.msk [tilespmem:v5+s9+$0x0], $0xffff;
	s16 =	sadd.s32 $0x1400, s16;
	s23 =	sshll.u32 s28, $0x8  }
0xa1: {  	v10 =	vmov s22;
	s26 =	sshll.u32 s28, $0x7;
	v12 =	vld [tilespmem:s24+$0x0];
	s28 =	sadd.s32 s13, s12;
	s25 =	sadd.s32 $0x7, s20  }
0xa2: {  	v11 =	vbroadcast v11, $0x0;
	v6 =	vld.idx.msk [tilespmem:v6+s9+$0x0], $0xffff;
	s20 =	sadd.s32 $0x9, s20;
	s22 =	sand.u32 $0xF800, s23;
	s24 =	sadd.s32 s14, s28  }
0xa3: {  	s23 =	sand.u32 $0x300, s26;
	s26 =	sadd.s32 s13, s15;
	s28 =	sshll.u32 s25, $0x8;
	v13 =	vld [tilespmem:s24+$0x0]  }
0xa4: {  	v7 =	vld.idx.msk [tilespmem:v7+s9+$0x0], $0xffff;
	s22 =	sor.u32 s23, s22;
	s23 =	sshll.u32 s25, $0x7;
	s24 =	sadd.s32 s14, s26;
	v14 =	vmul.f32 v8, v3;
	v9 =	vmul.f32 v9, v4  }
0xa5: {  	v15 =	vmov s17;
	s26 =	sand.u32 $0xF800, s28;
	s28 =	sadd.s32 s13, s16;
	s23 =	sand.u32 $0x380, s23;
	v17 =	vld [tilespmem:s24+$0x0]  }
0xa6: {  	v16 =	vmov s19;
	s17 =	sadd.s32 $0x1400, s22;
	s25 =	sadd.s32 s14, s28;
	s19 =	sor.u32 s23, s26;
	v8 =	vld.idx.msk [tilespmem:v10+s9+$0x0], $0xffff;
	v12 =	vmul.f32 v12, v5;
	v10 =	vadd.f32 v9, v14  }
0xa7: {  	v16 =	vbroadcast v16, $0x0;
	s26 =	sadd.s32 $0x9, s18;
	s28 =	sadd.s32 s13, s17;
	s23 =	sshll.u32 s20, $0x8;
	v14 =	vld [tilespmem:s25+$0x0]  }
0xa8: {  	s20 =	sshll.u32 s20, $0x7;
	s19 =	sadd.s32 $0x1400, s19;
	s22 =	sadd.s32 s14, s28;
	v9 =	vld.idx.msk [tilespmem:v11+s9+$0x0], $0xffff;
	v11 =	vadd.f32 v12, v10;
	v12 =	vmul.f32 v13, v6  }
0xa9: {  	s18 =	sadd.s32 $0x1C00, s21;
	s20 =	sand.u32 $0x380, s20;
	v18 =	vld [tilespmem:s22+$0x0];
	s24 =	sadd.s32 s13, s19;
	v13 =	vmov s26  }
0xaa: {  	s22 =	sand.u32 $0xF800, s23;
	s21 =	sadd.s32 s14, s24;
	s25 =	sadd.s32 s13, s18;
	v10 =	vld.idx.msk [tilespmem:v15+s9+$0x0], $0xffff;
	v15 =	vmul.f32 v17, v7;
	v12 =	vadd.f32 v12, v11  }
0xab: {  	s20 =	sor.u32 s20, s22;
	v62 =	vld [tilespmem:s21+$0x0];
	s21 =	sadd.s32 s14, s25  }
0xac: {  	s20 =	sadd.s32 $0x1400, s20;
	v63 =	vld [tilespmem:s21+$0x0];
	v14 =	vmul.f32 v14, v8;
	v15 =	vadd.f32 v15, v12  }
0xad: {  	s26 =	sadd.s32 s13, s20;
	v11 =	vld.idx.msk [tilespmem:v16+s9+$0x0], $0xffff  }
0xae: {  	s21 =	sadd.s32 s14, s26;
	v12 =	vld.idx.msk [tilespmem:v13+s9+$0x0], $0xffff;
	v13 =	vadd.f32 v14, v15;
	v14 =	vmul.f32 v18, v9  }
0xaf: {  	v15 =	vld [tilespmem:s21+$0x0]  }
0xb0: {  	v13 =	vadd.f32 v14, v13;
	v14 =	vmul.f32 v62, v10;
	_ =	sdelay $0x1  }
0xb1: {  	s28 =	sshll.u32 s10, $0x7;
	v13 =	vadd.f32 v14, v13;
	v14 =	vmul.f32 v63, v11  }
0xb2: {  	s23 =	simm.s32 $0x80;
	s22 =	simm.s32 $0x10;
	s21 =	sand.u32 $0x3FFFFF80, s28  }
0xb3: {  	s24 =	simm.s32 $0x20;
	s25 =	rddreg [dreg:$0x3];
	s21 =	sadd.s32 $0xB400, s21;
	v13 =	vadd.f32 v14, v13;
	v14 =	vmul.f32 v15, v12  }
.LBB2_4:
0xb4: {  	_ = 	snop  }
0xb5: {  	s26 =	sadd.s32 s13, s21;
	s13 =	sand.u32 $0x400, s23;
	v13 =	vadd.f32 v14, v13  }
0xb6: {  	s25 =	sadd.s32 s13, s25;
	s26 =	sadd.s32 s14, s26;
	s14 =	sand.u32 $0x70, s22  }
0xb7: {  	s25 =	sadd.s32 s14, s25;
	[tilespmem:s26+$0x0] =	vst v13  }
0xb8: {  	v13 =	vld [tilespmem:s25+$0x0]  }
0xb9: {  	s26 =	sadd.s32 s13, s11;
	v14 =	vld [tilespmem:s25+$0x80]  }
0xba: {  	s25 =	sadd.s32 s14, s26  }
0xbb: {  	s28 =	sadd.s32 s13, s12;
	v15 =	vld [tilespmem:s25+$0x0]  }
0xbc: {  	s25 =	sadd.s32 s14, s28  }
0xbd: {  	s26 =	sadd.s32 s13, s15;
	v16 =	vld [tilespmem:s25+$0x0]  }
0xbe: {  	s25 =	sadd.s32 s14, s26;
	v13 =	vmul.f32 v13, v3;
	v14 =	vmul.f32 v14, v4  }
0xbf: {  	s28 =	sadd.s32 s13, s16;
	v17 =	vld [tilespmem:s25+$0x0]  }
0xc0: {  	s25 =	sadd.s32 s14, s28;
	v13 =	vadd.f32 v14, v13;
	v14 =	vmul.f32 v15, v5  }
0xc1: {  	s26 =	sadd.s32 s13, s17;
	v15 =	vld [tilespmem:s25+$0x0]  }
0xc2: {  	s25 =	sadd.s32 s14, s26;
	v13 =	vadd.f32 v14, v13;
	v14 =	vmul.f32 v16, v6  }
0xc3: {  	s28 =	sadd.s32 s13, s19;
	v61 =	vld [tilespmem:s25+$0x0]  }
0xc4: {  	s25 =	sadd.s32 s14, s28;
	v13 =	vadd.f32 v14, v13;
	v14 =	vmul.f32 v17, v7  }
0xc5: {  	s26 =	sadd.s32 s13, s18;
	v62 =	vld [tilespmem:s25+$0x0]  }
0xc6: {  	s25 =	sadd.s32 s14, s26;
	v13 =	vadd.f32 v14, v13;
	v14 =	vmul.f32 v15, v8  }
0xc7: {  	s28 =	sadd.s32 s13, s20;
	v15 =	vld [tilespmem:s25+$0x0]  }
0xc8: {  	s25 =	sadd.s32 s14, s28;
	v13 =	vadd.f32 v14, v13;
	v14 =	vmul.f32 v61, v9  }
0xc9: {  	p0 =	sne.s32 s24, $0xF0;
	v63 =	vld [tilespmem:s25+$0x0]  }
.Ltmp2:
0xca: {  	v13 =	vadd.f32 v14, v13;
	v14 =	vmul.f32 v62, v10;
	(pc) =	sbr.rel @p0 .LBB2_4-.Ltmp2, $4  }
0xcb: {  	_ = 	snop  }
0xcc: {  	v13 =	vadd.f32 v14, v13;
	v14 =	vmul.f32 v15, v11  }
0xcd: {  	s23 =	sadd.s32 $0x80, s23  }
0xce: {  	s22 =	smov.u32 s24;
	s24 =	sadd.s32 $0x10, s24;
	s25 =	rddreg [dreg:$0x3];
	v13 =	vadd.f32 v14, v13;
	v14 =	vmul.f32 v63, v12  }
0xcf: {  	_ = 	snop  }
0xd0: {  	s23 =	sand.u32 $0x400, s23;
	s13 =	sadd.s32 s13, s21;
	v13 =	vadd.f32 v14, v13  }
0xd1: {  	s22 =	sand.u32 $0x70, s22;
	s24 =	sadd.s32 s23, s25;
	s13 =	sadd.s32 s14, s13  }
0xd2: {  	s28 =	sadd.s32 s22, s24;
	[tilespmem:s13+$0x0] =	vst v13  }
0xd3: {  	v13 =	vld [tilespmem:s28+$0x0]  }
0xd4: {  	s11 =	sadd.s32 s23, s11;
	v49 =	vld [tilespmem:s28+$0x80]  }
0xd5: {  	s11 =	sadd.s32 s22, s11  }
0xd6: {  	s14 =	sadd.s32 s23, s12;
	v15 =	vld [tilespmem:s11+$0x0]  }
0xd7: {  	s11 =	sadd.s32 s22, s14  }
0xd8: {  	s15 =	sadd.s32 s23, s15;
	v16 =	vld [tilespmem:s11+$0x0]  }
0xd9: {  	s11 =	sadd.s32 s22, s15;
	v3 =	vmul.f32 v13, v3;
	v4 =	vmul.f32 v49, v4  }
0xda: {  	s16 =	sadd.s32 s23, s16;
	v50 =	vld [tilespmem:s11+$0x0]  }
0xdb: {  	s11 =	sadd.s32 s22, s16;
	v51 =	vmul.f32 v15, v5;
	v3 =	vadd.f32 v4, v3  }
0xdc: {  	s17 =	sadd.s32 s23, s17;
	v52 =	vld [tilespmem:s11+$0x0]  }
0xdd: {  	s11 =	sadd.s32 s22, s17;
	v53 =	vmul.f32 v16, v6;
	v3 =	vadd.f32 v51, v3  }
0xde: {  	s24 =	sadd.s32 s23, s19;
	v54 =	vld [tilespmem:s11+$0x0]  }
0xdf: {  	s11 =	sadd.s32 s22, s24;
	v55 =	vmul.f32 v50, v7;
	v3 =	vadd.f32 v53, v3  }
0xe0: {  	s25 =	sadd.s32 s23, s18;
	v56 =	vld [tilespmem:s11+$0x0]  }
0xe1: {  	s11 =	sadd.s32 s22, s25;
	v57 =	vmul.f32 v52, v8;
	v3 =	vadd.f32 v55, v3  }
0xe2: {  	s26 =	sadd.s32 s23, s20;
	v58 =	vld [tilespmem:s11+$0x0]  }
0xe3: {  	s11 =	sadd.s32 s22, s26;
	v59 =	vmul.f32 v54, v9;
	v3 =	vadd.f32 v57, v3  }
0xe4: {  	v60 =	vld [tilespmem:s11+$0x0]  }
0xe5: {  	v61 =	vmul.f32 v56, v10;
	v3 =	vadd.f32 v59, v3;
	_ =	sdelay $0x1  }
0xe6: {  	s10 =	sadd.s32 $0x1, s10;
	v62 =	vmul.f32 v58, v11;
	v3 =	vadd.f32 v61, v3  }
0xe7: {  	p0 =	sne.s32 s10, $0x8  }
.Ltmp3:
0xe8: {  	v63 =	vmul.f32 v60, v12;
	v3 =	vadd.f32 v62, v3;
	(pc) =	sbr.rel @p0 .LBB2_3-.Ltmp3, $4  }
0xe9: {  	_ = 	snop  }
0xea: {  	s28 =	sadd.s32 s23, s21;
	v3 =	vadd.f32 v63, v3  }
0xeb: {  	s11 =	sadd.s32 s22, s28  }
0xec: {  	[tilespmem:s11+$0x0] =	vst v3  }
0xed: {  	s4 =	sshll.u32 s5, $0x9;
	p0 =	seq.s32 s5, $0xF  }
.Ltmp4:
0xee: {  	s4 =	sadd.s32 s4, s6;
	(pc) =	sbr.rel @p0 .LBB2_8-.Ltmp4, $4  }
0xef: {  	[hbm4b:s4+s2] =	stream.linear.scatter [tilespmem:s0], [sflag:$0x3], $0x800, $0x38;
	[tilespmem:$0xBC00] =	vst v63  }
0xf0: {  	_ =	swait.ge [sflag:s8], $0x800  }
0xf1: {  	[sflag:s8] =	ssyncset.done $0x0  }
0xf2: {  	[sflag:s8] =	ssyncadd.s32 $0xFFFFF800  }
0xf3: {  	s4 =	smul.u32 $0x280, s5;
	_ =	sdelay $0x1  }
0xf4: {  	s4 =	sshra.s32 s4, $0x2  }
0xf5: {  	v3 =	vld [tilespmem:s4+$0xA0];
	_ =	sdelay $0x4  }
0xf6: {  	v4 =	vshll.u32 v3, $0x1  }
0xf7: {  	v3 =	vand.u32 $0x7, v3;
	v4 =	vand.u32 $0xFFFFFFF0, v4  }
0xf8: {  	v3 =	vor.u32 v3, v4  }
0xf9: {  	v4 =	vperm.xlane v3, v0;
	_ =	sdelay $0x1  }
0xfa: {  	v3 =	vperm.xlane v3, v2;
	v4 =	vadd.s32 v1, v4;
	_ =	sdelay $0x1  }
0xfb: {  	v3 =	vadd.s32 v1, v3;
	_ =	sdelay $0x1  }
0xfc: {  	s7 =	simm.s32 $0x1400  }
0xfd: {  	[tilespmem:s7], [sflag:$0x1] =	stream.indirect_vreg.gather [hbm4b:s3+s2], $0x80, v4, vm0, $0xb8;
	[tilespmem:$0xBC00] =	vst v63  }
0xfe: {  	s19 =	simm.s32 $0x1C00  }
0xff: {  	[tilespmem:s19], [sflag:$0x1] =	stream.indirect_vreg.gather [hbm4b:s3+s2], $0x80, v3, vm0, $0xb8;
	[tilespmem:$0xBC00] =	vst v63  }
0x100: {  	v3 =	vld [tilespmem:s4+$0xB0];
	_ =	sdelay $0x4  }
0x101: {  	v60 =	vshll.u32 v3, $0x1  }
0x102: {  	v3 =	vand.u32 $0x7, v3;
	v4 =	vand.u32 $0xFFFFFFF0, v60  }
0x103: {  	v3 =	vor.u32 v3, v4  }
0x104: {  	v4 =	vperm.xlane v3, v0;
	_ =	sdelay $0x1  }
0x105: {  	v3 =	vperm.xlane v3, v2;
	v4 =	vadd.s32 v1, v4;
	_ =	sdelay $0x1  }
0x106: {  	v3 =	vadd.s32 v1, v3;
	_ =	sdelay $0x1  }
0x107: {  	s20 =	simm.s32 $0x2400  }
0x108: {  	[tilespmem:s20], [sflag:$0x1] =	stream.indirect_vreg.gather [hbm4b:s3+s2], $0x80, v4, vm0, $0xb8;
	[tilespmem:$0xBC00] =	vst v63  }
0x109: {  	s21 =	simm.s32 $0x2C00  }
0x10a: {  	[tilespmem:s21], [sflag:$0x1] =	stream.indirect_vreg.gather [hbm4b:s3+s2], $0x80, v3, vm0, $0xb8;
	[tilespmem:$0xBC00] =	vst v63  }
0x10b: {  	v3 =	vld [tilespmem:s4+$0xC0];
	_ =	sdelay $0x4  }
0x10c: {  	v61 =	vshll.u32 v3, $0x1  }
0x10d: {  	v3 =	vand.u32 $0x7, v3;
	v4 =	vand.u32 $0xFFFFFFF0, v61  }
0x10e: {  	v3 =	vor.u32 v3, v4  }
0x10f: {  	v4 =	vperm.xlane v3, v0;
	_ =	sdelay $0x1  }
0x110: {  	v3 =	vperm.xlane v3, v2;
	v4 =	vadd.s32 v1, v4;
	_ =	sdelay $0x1  }
0x111: {  	v3 =	vadd.s32 v1, v3;
	_ =	sdelay $0x1  }
0x112: {  	s22 =	simm.s32 $0x3400  }
0x113: {  	[tilespmem:s22], [sflag:$0x1] =	stream.indirect_vreg.gather [hbm4b:s3+s2], $0x80, v4, vm0, $0xb8;
	[tilespmem:$0xBC00] =	vst v63  }
0x114: {  	s23 =	simm.s32 $0x3C00  }
0x115: {  	[tilespmem:s23], [sflag:$0x1] =	stream.indirect_vreg.gather [hbm4b:s3+s2], $0x80, v3, vm0, $0xb8;
	[tilespmem:$0xBC00] =	vst v63  }
0x116: {  	v3 =	vld [tilespmem:s4+$0xD0];
	_ =	sdelay $0x4  }
0x117: {  	v62 =	vshll.u32 v3, $0x1  }
0x118: {  	v3 =	vand.u32 $0x7, v3;
	v4 =	vand.u32 $0xFFFFFFF0, v62  }
0x119: {  	v3 =	vor.u32 v3, v4  }
0x11a: {  	v4 =	vperm.xlane v3, v0;
	_ =	sdelay $0x1  }
0x11b: {  	v3 =	vperm.xlane v3, v2;
	v4 =	vadd.s32 v1, v4;
	_ =	sdelay $0x1  }
0x11c: {  	v3 =	vadd.s32 v1, v3;
	_ =	sdelay $0x1  }
0x11d: {  	s24 =	simm.s32 $0x4400  }
0x11e: {  	[tilespmem:s24], [sflag:$0x1] =	stream.indirect_vreg.gather [hbm4b:s3+s2], $0x80, v4, vm0, $0xb8;
	[tilespmem:$0xBC00] =	vst v63  }
0x11f: {  	s25 =	simm.s32 $0x4C00  }
0x120: {  	[tilespmem:s25], [sflag:$0x1] =	stream.indirect_vreg.gather [hbm4b:s3+s2], $0x80, v3, vm0, $0xb8;
	[tilespmem:$0xBC00] =	vst v63  }
0x121: {  	v3 =	vld [tilespmem:s4+$0xE0];
	_ =	sdelay $0x4  }
0x122: {  	v63 =	vshll.u32 v3, $0x1  }
0x123: {  	v3 =	vand.u32 $0x7, v3;
	v4 =	vand.u32 $0xFFFFFFF0, v63  }
0x124: {  	v3 =	vor.u32 v3, v4  }
0x125: {  	v4 =	vperm.xlane v3, v0;
	_ =	sdelay $0x1  }
0x126: {  	v3 =	vperm.xlane v3, v2;
	v4 =	vadd.s32 v1, v4;
	_ =	sdelay $0x1  }
0x127: {  	v3 =	vadd.s32 v1, v3;
	_ =	sdelay $0x1  }
0x128: {  	s26 =	simm.s32 $0x5400  }
0x129: {  	[tilespmem:s26], [sflag:$0x1] =	stream.indirect_vreg.gather [hbm4b:s3+s2], $0x80, v4, vm0, $0xb8;
	[tilespmem:$0xBC00] =	vst v63  }
0x12a: {  	s28 =	simm.s32 $0x5C00  }
0x12b: {  	[tilespmem:s28], [sflag:$0x1] =	stream.indirect_vreg.gather [hbm4b:s3+s2], $0x80, v3, vm0, $0xb8;
	[tilespmem:$0xBC00] =	vst v63  }
.LBB2_8:
0x12c: {  	_ =	swait.ge [sflag:s1], $0x5000;
	s4 =	sshll.u32 s5, $0x1  }
0x12d: {  	s10 =	simm.s32 $0x0;
	[sflag:s1] =	ssyncset.done $0x0;
	s7 =	sor.u32 $0x1, s4  }
0x12e: {  	s11 =	simm.s32 $0x0;
	[sflag:s1] =	ssyncadd.s32 $0xFFFFB000;
	s4 =	sshll.u32 s7, $0x3  }
.LBB2_9:
0x12f: {  	s21 =	smul.u32 $0xA, s11  }
0x130: {  	s12 =	sadd.s32 s4, s11;
	s22 =	smul.u32 $0xA00, s11  }
0x131: {  	s15 =	sshll.u32 s11, $0x8;
	s19 =	smul.u32 $0xA, s12  }
0x132: {  	s15 =	sand.u32 $0x300, s15  }
0x133: {  	s12 =	sand.u32 $0x7800, s22;
	s22 =	sadd.s32 $0x2, s21;
	s13 =	sor.u32 $0x1, s19  }
0x134: {  	s14 =	sadd.s32 $0x2, s19;
	s16 =	sadd.s32 $0x3, s19;
	s17 =	sadd.s32 $0x4, s19  }
0x135: {  	s23 =	sadd.s32 $0x5, s19;
	s24 =	sadd.s32 $0x6, s19;
	s18 =	sadd.s32 $0x7, s19  }
0x136: {  	s20 =	sadd.s32 $0x8, s19;
	s25 =	sshll.u32 s22, $0x8;
	s26 =	sshll.u32 s22, $0x7  }
0x137: {  	s22 =	sor.u32 s15, s12;
	s25 =	sand.u32 $0xF800, s25;
	s26 =	sand.u32 $0x300, s26  }
0x138: {  	v3 =	vmov s19;
	s28 =	sadd.s32 $0x6400, s22;
	s12 =	sor.u32 s26, s25;
	s26 =	sadd.s32 $0x3, s21  }
0x139: {  	v3 =	vbroadcast v3, $0x0;
	v4 =	vmov s13;
	[dreg:$0x4] =	wrdreg s28;
	s12 =	sadd.s32 $0x6400, s12;
	s28 =	sshll.u32 s26, $0x8  }
0x13a: {  	s15 =	sshll.u32 s26, $0x7;
	s26 =	sadd.s32 $0x4, s21;
	s13 =	sand.u32 $0xF800, s28  }
0x13b: {  	v5 =	vmov s14;
	s28 =	sshll.u32 s26, $0x8;
	s25 =	sshll.u32 s26, $0x7;
	s26 =	rddreg [dreg:$0x4]  }
0x13c: {  	v5 =	vbroadcast v5, $0x0;
	s15 =	sand.u32 $0x380, s15;
	s14 =	sand.u32 $0xF800, s28;
	s25 =	sand.u32 $0x300, s25  }
0x13d: {  	s13 =	sor.u32 s15, s13;
	s25 =	sor.u32 s25, s14;
	s14 =	sand.u32 $0x400, s10  }
0x13e: {  	s28 =	sadd.s32 $0x5, s21;
	s15 =	sand.u32 $0x70, s10;
	v4 =	vld.idx.msk [tilespmem:v4+s9+$0x0], $0xffff;
	s26 =	sadd.s32 s14, s26  }
0x13f: {  	v6 =	vmov s16;
	v7 =	vmov s17;
	s16 =	sshll.u32 s28, $0x8;
	s17 =	sshll.u32 s28, $0x7;
	v3 =	vld.idx.msk [tilespmem:v3+s9+$0x0], $0xffff;
	s26 =	sadd.s32 s15, s26  }
0x140: {  	v7 =	vbroadcast v7, $0x0;
	s13 =	sadd.s32 $0x6400, s13;
	s28 =	sand.u32 $0xF800, s16;
	s17 =	sand.u32 $0x380, s17;
	v8 =	vld [tilespmem:s26+$0x0]  }
0x141: {  	s16 =	sadd.s32 $0x6400, s25;
	s17 =	sor.u32 s17, s28;
	v9 =	vld [tilespmem:s26+$0x80];
	s26 =	sadd.s32 s14, s12  }
0x142: {  	v5 =	vld.idx.msk [tilespmem:v5+s9+$0x0], $0xffff;
	s28 =	sadd.s32 $0x6, s21;
	s17 =	sadd.s32 $0x6400, s17;
	s25 =	sadd.s32 s15, s26  }
0x143: {  	v10 =	vmov s23;
	v11 =	vmov s24;
	s24 =	sshll.u32 s28, $0x8;
	s26 =	sshll.u32 s28, $0x7;
	s28 =	sadd.s32 s14, s13;
	v12 =	vld [tilespmem:s25+$0x0]  }
0x144: {  	v11 =	vbroadcast v11, $0x0;
	v6 =	vld.idx.msk [tilespmem:v6+s9+$0x0], $0xffff;
	s23 =	sand.u32 $0xF800, s24;
	s24 =	sand.u32 $0x300, s26;
	s25 =	sadd.s32 s15, s28  }
0x145: {  	s26 =	sadd.s32 s14, s16;
	s23 =	sor.u32 s24, s23;
	s24 =	sadd.s32 $0x7, s21;
	v13 =	vld [tilespmem:s25+$0x0]  }
0x146: {  	v7 =	vld.idx.msk [tilespmem:v7+s9+$0x0], $0xffff;
	s25 =	sadd.s32 s15, s26;
	s28 =	sshll.u32 s24, $0x8;
	s24 =	sshll.u32 s24, $0x7;
	v14 =	vmul.f32 v8, v3;
	v9 =	vmul.f32 v9, v4  }
0x147: {  	v15 =	vmov s18;
	v16 =	vmov s20;
	v17 =	vld [tilespmem:s25+$0x0];
	s26 =	sand.u32 $0xF800, s28;
	s24 =	sand.u32 $0x380, s24;
	s28 =	sadd.s32 s14, s17  }
0x148: {  	v16 =	vbroadcast v16, $0x0;
	s18 =	sadd.s32 $0x6400, s23;
	v8 =	vld.idx.msk [tilespmem:v10+s9+$0x0], $0xffff;
	s20 =	sor.u32 s24, s26;
	s26 =	sadd.s32 s15, s28;
	v10 =	vadd.f32 v9, v14;
	v12 =	vmul.f32 v12, v5  }
0x149: {  	s21 =	sadd.s32 $0x9, s21;
	s25 =	sadd.s32 s14, s18;
	s28 =	sadd.s32 $0x9, s19;
	v14 =	vld [tilespmem:s26+$0x0]  }
0x14a: {  	s19 =	sadd.s32 $0x6C00, s22;
	s20 =	sadd.s32 $0x6400, s20;
	v9 =	vld.idx.msk [tilespmem:v11+s9+$0x0], $0xffff;
	s26 =	sadd.s32 s15, s25;
	v11 =	vadd.f32 v12, v10;
	v12 =	vmul.f32 v13, v6  }
0x14b: {  	v18 =	vld [tilespmem:s26+$0x0];
	s24 =	sadd.s32 s14, s20;
	v13 =	vmov s28;
	s28 =	sshll.u32 s21, $0x8;
	s21 =	sshll.u32 s21, $0x7  }
0x14c: {  	v10 =	vld.idx.msk [tilespmem:v15+s9+$0x0], $0xffff;
	v15 =	vmul.f32 v17, v7;
	s22 =	sadd.s32 s15, s24;
	s23 =	sand.u32 $0xF800, s28;
	s21 =	sand.u32 $0x380, s21;
	v12 =	vadd.f32 v12, v11  }
0x14d: {  	s25 =	sadd.s32 s14, s19;
	v62 =	vld [tilespmem:s22+$0x0];
	s21 =	sor.u32 s21, s23  }
0x14e: {  	s22 =	sadd.s32 s15, s25;
	v11 =	vld.idx.msk [tilespmem:v16+s9+$0x0], $0xffff;
	s21 =	sadd.s32 $0x6400, s21;
	v14 =	vmul.f32 v14, v8;
	v15 =	vadd.f32 v15, v12  }
0x14f: {  	v63 =	vld [tilespmem:s22+$0x0];
	s26 =	sadd.s32 s14, s21  }
0x150: {  	v12 =	vld.idx.msk [tilespmem:v13+s9+$0x0], $0xffff;
	s22 =	sadd.s32 s15, s26;
	v13 =	vadd.f32 v14, v15;
	v14 =	vmul.f32 v18, v9  }
0x151: {  	v15 =	vld [tilespmem:s22+$0x0]  }
0x152: {  	v13 =	vadd.f32 v14, v13;
	v14 =	vmul.f32 v62, v10;
	_ =	sdelay $0x1  }
0x153: {  	s28 =	sshll.u32 s11, $0x7;
	v13 =	vadd.f32 v14, v13;
	v14 =	vmul.f32 v63, v11  }
0x154: {  	s24 =	simm.s32 $0x80;
	s25 =	simm.s32 $0x20;
	s22 =	sand.u32 $0x3FFFFF80, s28  }
0x155: {  	s23 =	simm.s32 $0x10;
	s26 =	rddreg [dreg:$0x4];
	s22 =	sadd.s32 $0xB400, s22;
	v13 =	vadd.f32 v14, v13;
	v14 =	vmul.f32 v15, v12  }
.LBB2_10:
0x156: {  	_ = 	snop  }
0x157: {  	s28 =	sadd.s32 s14, s22;
	s14 =	sand.u32 $0x400, s24;
	v13 =	vadd.f32 v14, v13  }
0x158: {  	s26 =	sadd.s32 s14, s26;
	s28 =	sadd.s32 s15, s28;
	s15 =	sand.u32 $0x70, s23  }
0x159: {  	s26 =	sadd.s32 s15, s26;
	[tilespmem:s28+$0x0] =	vst v13  }
0x15a: {  	v13 =	vld [tilespmem:s26+$0x0]  }
0x15b: {  	s28 =	sadd.s32 s14, s12;
	v14 =	vld [tilespmem:s26+$0x80]  }
0x15c: {  	s26 =	sadd.s32 s15, s28  }
0x15d: {  	s28 =	sadd.s32 s14, s13;
	v15 =	vld [tilespmem:s26+$0x0]  }
0x15e: {  	s26 =	sadd.s32 s15, s28  }
0x15f: {  	s28 =	sadd.s32 s14, s16;
	v16 =	vld [tilespmem:s26+$0x0]  }
0x160: {  	s26 =	sadd.s32 s15, s28;
	v13 =	vmul.f32 v13, v3;
	v14 =	vmul.f32 v14, v4  }
0x161: {  	s28 =	sadd.s32 s14, s17;
	v17 =	vld [tilespmem:s26+$0x0]  }
0x162: {  	s26 =	sadd.s32 s15, s28;
	v13 =	vadd.f32 v14, v13;
	v14 =	vmul.f32 v15, v5  }
0x163: {  	s28 =	sadd.s32 s14, s18;
	v15 =	vld [tilespmem:s26+$0x0]  }
0x164: {  	s26 =	sadd.s32 s15, s28;
	v13 =	vadd.f32 v14, v13;
	v14 =	vmul.f32 v16, v6  }
0x165: {  	s28 =	sadd.s32 s14, s20;
	v61 =	vld [tilespmem:s26+$0x0]  }
0x166: {  	s26 =	sadd.s32 s15, s28;
	v13 =	vadd.f32 v14, v13;
	v14 =	vmul.f32 v17, v7  }
0x167: {  	s28 =	sadd.s32 s14, s19;
	v62 =	vld [tilespmem:s26+$0x0]  }
0x168: {  	s26 =	sadd.s32 s15, s28;
	v13 =	vadd.f32 v14, v13;
	v14 =	vmul.f32 v15, v8  }
0x169: {  	s28 =	sadd.s32 s14, s21;
	v15 =	vld [tilespmem:s26+$0x0]  }
0x16a: {  	s26 =	sadd.s32 s15, s28;
	v13 =	vadd.f32 v14, v13;
	v14 =	vmul.f32 v61, v9  }
0x16b: {  	p1 =	sne.s32 s25, $0xF0;
	v63 =	vld [tilespmem:s26+$0x0]  }
.Ltmp5:
0x16c: {  	v13 =	vadd.f32 v14, v13;
	v14 =	vmul.f32 v62, v10;
	(pc) =	sbr.rel @p1 .LBB2_10-.Ltmp5, $4  }
0x16d: {  	_ = 	snop  }
0x16e: {  	v13 =	vadd.f32 v14, v13;
	v14 =	vmul.f32 v15, v11  }
0x16f: {  	s24 =	sadd.s32 $0x80, s24  }
0x170: {  	s23 =	smov.u32 s25;
	s25 =	sadd.s32 $0x10, s25;
	s26 =	rddreg [dreg:$0x4];
	v13 =	vadd.f32 v14, v13;
	v14 =	vmul.f32 v63, v12  }
0x171: {  	_ = 	snop  }
0x172: {  	s24 =	sand.u32 $0x400, s24;
	s14 =	sadd.s32 s14, s22;
	v13 =	vadd.f32 v14, v13  }
0x173: {  	s23 =	sand.u32 $0x70, s23;
	s25 =	sadd.s32 s24, s26;
	s14 =	sadd.s32 s15, s14  }
0x174: {  	s28 =	sadd.s32 s23, s25;
	[tilespmem:s14+$0x0] =	vst v13  }
0x175: {  	v13 =	vld [tilespmem:s28+$0x0]  }
0x176: {  	s12 =	sadd.s32 s24, s12;
	v49 =	vld [tilespmem:s28+$0x80]  }
0x177: {  	s12 =	sadd.s32 s23, s12  }
0x178: {  	s15 =	sadd.s32 s24, s13;
	v15 =	vld [tilespmem:s12+$0x0]  }
0x179: {  	s12 =	sadd.s32 s23, s15  }
0x17a: {  	s16 =	sadd.s32 s24, s16;
	v16 =	vld [tilespmem:s12+$0x0]  }
0x17b: {  	s12 =	sadd.s32 s23, s16;
	v3 =	vmul.f32 v13, v3;
	v4 =	vmul.f32 v49, v4  }
0x17c: {  	s17 =	sadd.s32 s24, s17;
	v50 =	vld [tilespmem:s12+$0x0]  }
0x17d: {  	s12 =	sadd.s32 s23, s17;
	v51 =	vmul.f32 v15, v5;
	v3 =	vadd.f32 v4, v3  }
0x17e: {  	s18 =	sadd.s32 s24, s18;
	v52 =	vld [tilespmem:s12+$0x0]  }
0x17f: {  	s12 =	sadd.s32 s23, s18;
	v53 =	vmul.f32 v16, v6;
	v3 =	vadd.f32 v51, v3  }
0x180: {  	s20 =	sadd.s32 s24, s20;
	v54 =	vld [tilespmem:s12+$0x0]  }
0x181: {  	s12 =	sadd.s32 s23, s20;
	v55 =	vmul.f32 v50, v7;
	v3 =	vadd.f32 v53, v3  }
0x182: {  	s25 =	sadd.s32 s24, s19;
	v56 =	vld [tilespmem:s12+$0x0]  }
0x183: {  	s12 =	sadd.s32 s23, s25;
	v57 =	vmul.f32 v52, v8;
	v3 =	vadd.f32 v55, v3  }
0x184: {  	s26 =	sadd.s32 s24, s21;
	v58 =	vld [tilespmem:s12+$0x0]  }
0x185: {  	s12 =	sadd.s32 s23, s26;
	v59 =	vmul.f32 v54, v9;
	v3 =	vadd.f32 v57, v3  }
0x186: {  	v60 =	vld [tilespmem:s12+$0x0]  }
0x187: {  	v61 =	vmul.f32 v56, v10;
	v3 =	vadd.f32 v59, v3;
	_ =	sdelay $0x1  }
0x188: {  	s11 =	sadd.s32 $0x1, s11;
	v62 =	vmul.f32 v58, v11;
	v3 =	vadd.f32 v61, v3  }
0x189: {  	p1 =	sne.s32 s11, $0x8  }
.Ltmp6:
0x18a: {  	v63 =	vmul.f32 v60, v12;
	v3 =	vadd.f32 v62, v3;
	(pc) =	sbr.rel @p1 .LBB2_9-.Ltmp6, $4  }
0x18b: {  	_ = 	snop  }
0x18c: {  	s28 =	sadd.s32 s24, s22;
	v3 =	vadd.f32 v63, v3  }
0x18d: {  	s12 =	sadd.s32 s23, s28  }
0x18e: {  	[tilespmem:s12+$0x0] =	vst v3  }
0x18f: {  	s4 =	sshll.u32 s7, $0x8  }
.Ltmp7:
0x190: {  	s4 =	sadd.s32 s4, s6;
	(pc) =	sbr.rel @p0 .LBB2_14-.Ltmp7, $4  }
0x191: {  	[hbm4b:s4+s2] =	stream.linear.scatter [tilespmem:s0], [sflag:$0x3], $0x800, $0x38;
	[tilespmem:$0xBC00] =	vst v63  }
0x192: {  	_ =	swait.ge [sflag:s8], $0x800  }
0x193: {  	[sflag:s8] =	ssyncset.done $0x0  }
0x194: {  	[sflag:s8] =	ssyncadd.s32 $0xFFFFF800  }
0x195: {  	s4 =	smul.u32 $0x280, s5;
	_ =	sdelay $0x1  }
0x196: {  	s4 =	sshra.s32 s4, $0x2  }
0x197: {  	v3 =	vld [tilespmem:s4+$0xF0];
	_ =	sdelay $0x4  }
0x198: {  	v4 =	vshll.u32 v3, $0x1  }
0x199: {  	v3 =	vand.u32 $0x7, v3;
	v4 =	vand.u32 $0xFFFFFFF0, v4  }
0x19a: {  	v3 =	vor.u32 v3, v4  }
0x19b: {  	v4 =	vperm.xlane v3, v0;
	_ =	sdelay $0x1  }
0x19c: {  	v3 =	vperm.xlane v3, v2;
	v4 =	vadd.s32 v1, v4;
	_ =	sdelay $0x1  }
0x19d: {  	v3 =	vadd.s32 v1, v3;
	_ =	sdelay $0x1  }
0x19e: {  	s7 =	simm.s32 $0x6400  }
0x19f: {  	[tilespmem:s7], [sflag:$0x2] =	stream.indirect_vreg.gather [hbm4b:s3+s2], $0x80, v4, vm0, $0xb8;
	[tilespmem:$0xBC00] =	vst v63  }
0x1a0: {  	s21 =	simm.s32 $0x6C00  }
0x1a1: {  	[tilespmem:s21], [sflag:$0x2] =	stream.indirect_vreg.gather [hbm4b:s3+s2], $0x80, v3, vm0, $0xb8;
	[tilespmem:$0xBC00] =	vst v63  }
0x1a2: {  	v3 =	vld [tilespmem:s4+$0x100];
	_ =	sdelay $0x4  }
0x1a3: {  	v60 =	vshll.u32 v3, $0x1  }
0x1a4: {  	v3 =	vand.u32 $0x7, v3;
	v4 =	vand.u32 $0xFFFFFFF0, v60  }
0x1a5: {  	v3 =	vor.u32 v3, v4  }
0x1a6: {  	v4 =	vperm.xlane v3, v0;
	_ =	sdelay $0x1  }
0x1a7: {  	v3 =	vperm.xlane v3, v2;
	v4 =	vadd.s32 v1, v4;
	_ =	sdelay $0x1  }
0x1a8: {  	v3 =	vadd.s32 v1, v3;
	_ =	sdelay $0x1  }
0x1a9: {  	s22 =	simm.s32 $0x7400  }
0x1aa: {  	[tilespmem:s22], [sflag:$0x2] =	stream.indirect_vreg.gather [hbm4b:s3+s2], $0x80, v4, vm0, $0xb8;
	[tilespmem:$0xBC00] =	vst v63  }
0x1ab: {  	s23 =	simm.s32 $0x7C00  }
0x1ac: {  	[tilespmem:s23], [sflag:$0x2] =	stream.indirect_vreg.gather [hbm4b:s3+s2], $0x80, v3, vm0, $0xb8;
	[tilespmem:$0xBC00] =	vst v63  }
0x1ad: {  	v3 =	vld [tilespmem:s4+$0x110];
	_ =	sdelay $0x4  }
0x1ae: {  	v61 =	vshll.u32 v3, $0x1  }
0x1af: {  	v3 =	vand.u32 $0x7, v3;
	v4 =	vand.u32 $0xFFFFFFF0, v61  }
0x1b0: {  	v3 =	vor.u32 v3, v4  }
0x1b1: {  	v4 =	vperm.xlane v3, v0;
	_ =	sdelay $0x1  }
0x1b2: {  	v3 =	vperm.xlane v3, v2;
	v4 =	vadd.s32 v1, v4;
	_ =	sdelay $0x1  }
0x1b3: {  	v3 =	vadd.s32 v1, v3;
	_ =	sdelay $0x1  }
0x1b4: {  	s24 =	simm.s32 $0x8400  }
0x1b5: {  	[tilespmem:s24], [sflag:$0x2] =	stream.indirect_vreg.gather [hbm4b:s3+s2], $0x80, v4, vm0, $0xb8;
	[tilespmem:$0xBC00] =	vst v63  }
0x1b6: {  	s25 =	simm.s32 $0x8C00  }
0x1b7: {  	[tilespmem:s25], [sflag:$0x2] =	stream.indirect_vreg.gather [hbm4b:s3+s2], $0x80, v3, vm0, $0xb8;
	[tilespmem:$0xBC00] =	vst v63  }
0x1b8: {  	v3 =	vld [tilespmem:s4+$0x120];
	_ =	sdelay $0x4  }
0x1b9: {  	v62 =	vshll.u32 v3, $0x1  }
0x1ba: {  	v3 =	vand.u32 $0x7, v3;
	v4 =	vand.u32 $0xFFFFFFF0, v62  }
0x1bb: {  	v3 =	vor.u32 v3, v4  }
0x1bc: {  	v4 =	vperm.xlane v3, v0;
	_ =	sdelay $0x1  }
0x1bd: {  	v3 =	vperm.xlane v3, v2;
	v4 =	vadd.s32 v1, v4;
	_ =	sdelay $0x1  }
0x1be: {  	v3 =	vadd.s32 v1, v3;
	_ =	sdelay $0x1  }
0x1bf: {  	s26 =	simm.s32 $0x9400  }
0x1c0: {  	[tilespmem:s26], [sflag:$0x2] =	stream.indirect_vreg.gather [hbm4b:s3+s2], $0x80, v4, vm0, $0xb8;
	[tilespmem:$0xBC00] =	vst v63  }
0x1c1: {  	s28 =	simm.s32 $0x9C00  }
0x1c2: {  	[tilespmem:s28], [sflag:$0x2] =	stream.indirect_vreg.gather [hbm4b:s3+s2], $0x80, v3, vm0, $0xb8;
	[tilespmem:$0xBC00] =	vst v63  }
0x1c3: {  	v3 =	vld [tilespmem:s4+$0x130];
	_ =	sdelay $0x4  }
0x1c4: {  	v63 =	vshll.u32 v3, $0x1  }
0x1c5: {  	v3 =	vand.u32 $0x7, v3;
	v4 =	vand.u32 $0xFFFFFFF0, v63  }
0x1c6: {  	v3 =	vor.u32 v3, v4  }
0x1c7: {  	v4 =	vperm.xlane v3, v0;
	_ =	sdelay $0x1  }
0x1c8: {  	v3 =	vperm.xlane v3, v2;
	v4 =	vadd.s32 v1, v4;
	_ =	sdelay $0x1  }
0x1c9: {  	v3 =	vadd.s32 v1, v3  }
.Ltmp8:
0x1ca: {  	_ = 	snop;
	(pc) =	sbr.rel .LBB2_2-.Ltmp8, $4  }
0x1cb: {  	_ = 	snop  }
0x1cc: {  	[tilespmem:s29], [sflag:$0x2] =	stream.indirect_vreg.gather [hbm4b:s3+s2], $0x80, v4, vm0, $0xb8;
	[tilespmem:$0xBC00] =	vst v63  }
0x1cd: {  	s5 =	sadd.s32 $0x1, s5  }
0x1ce: {  	[tilespmem:s30], [sflag:$0x2] =	stream.indirect_vreg.gather [hbm4b:s3+s2], $0x80, v3, vm0, $0xb8;
	[tilespmem:$0xBC00] =	vst v63  }
.LBB2_15:
0x1cf: {  	_ =	sfence.sel $0x180000  }
0x1d0: {  	[bflag:$0x0] =	sbarrier.arrive $0xFFFF  }
0x1d1: {  	_ =	strace $0x90000047  }
0x1d2: {  	s0 =	stileid.u32;
	[bflag:$0x2] =	sbarrier.arrive $0xFFFF  }
0x1d3: {  	p0 =	sne.s32 s0, $0x0;
	s0 =	rddreg [dreg:$0x2]  }
0x1d4: {  	s0 =	sadd.s32 @!p0 $0x100000, s0  }
0x1d5: {  	[sflag:s0] =	ssyncadd.tile.s32 @!p0 $0x1;
	_ =	shalt  }
.Lfunc_end2:
_tile_overlayer_lowered:
.L_overlay_start_2:
0x1d6: {  	(tag) =	ssettag $0x2  }
0x1d7: {  	s0 =	rddreg [dreg:$0x0];
	s2 =	stileid.u32  }
0x1d8: {  	s1 =	rddreg [dreg:$0x1];
	p0 =	sne.s32 s2, $0x0  }
0x1d9: {  	s3 =	rddreg [dreg:$0x2];
	[bflag:$0x3] =	sbarrier.arrive $0xFFFF;
	s2 =	simm.s32 @!p0 $0x1C03  }
0x1da: {  	[timem:s3], [sflag:s2] =	dma.local @!p0 [hbm:s0], s1  }
0x1db: {  	s0 =	simm.s32 @!p0 $0x3  }
0x1dc: {  	_ =	swait.ge @!p0 [sflag:s0], s1  }
0x1dd: {  	s1 =	ssub.s32 @!p0 $0x0, s1;
	[sflag:s0] =	ssyncset.done @!p0 $0x0  }
0x1de: {  	[sflag:s0] =	ssyncadd.s32 @!p0 s1  }
0x1df: {  	[bflag:$0x3] =	sbarrier.arrive $0xFFFF  }
0x1e0: {  	_ =	shalt  }

</sc_bundles>
